<compile_context>
chip_gen: v7x
topology: tpu7x:2x2x1
jax: 0.10.2.dev20260603
libtpu: 0.0.44.dev20260713+nightly
codegen_flags: <defaults>
</compile_context>

<pallas_src>
import functools

import jax
import jax.numpy as jnp
from jax.experimental import pallas as pl
from jax.experimental.pallas import tpu as pltpu
from jax.experimental.pallas import tpu_sc as plsc

H = 16
HD = 64
HHD = 32
D = 1024
L = 256
NR = 14
NS = 2
IM = 256
TK = 2

_BQ = 256
_BRT = 256
NBR = 30
P_PAD = NBR * _BRT


def _rmsnorm(x, w, eps=1e-5):
    n = jnp.sqrt(jnp.mean(x * x, axis=-1, keepdims=True)) + eps
    return x / n * w


def _attn_kernel(q_ref, k_ref, va_ref, y_ref, *, bq, s):
    nb = s // bq
    rows = jax.lax.broadcasted_iota(jnp.int32, (bq, bq), 0)
    cols = jax.lax.broadcasted_iota(jnp.int32, (bq, bq), 1)
    tri = cols <= rows
    for i in range(nb):
        q_i = q_ref[0, i * bq:(i + 1) * bq, :]
        acc = jnp.zeros((bq, HD + 1), jnp.float32)
        for j in range(i + 1):
            k_j = k_ref[0, j * bq:(j + 1) * bq, :]
            s_blk = jax.lax.dot_general(
                q_i, k_j, (((1,), (1,)), ((), ())),
                preferred_element_type=jnp.float32)
            e = jnp.exp(jnp.minimum(s_blk, 60.0))
            if j == i:
                e = jnp.where(tri, e, 0.0)
            va_j = va_ref[0, j * bq:(j + 1) * bq, :]
            acc = acc + jax.lax.dot_general(
                e.astype(jnp.bfloat16), va_j, (((1,), (0,)), ((), ())),
                preferred_element_type=jnp.float32)
        y_ref[0, i * bq:(i + 1) * bq, :] = (
            acc[:, :HD] / acc[:, HD:HD + 1]).astype(jnp.bfloat16)


def _proj_kernel(y_ref, wo_ref, x_ref, o_ref):
    o_ref[...] = x_ref[...] + jax.lax.dot_general(
        y_ref[...], wo_ref[...], (((1,), (0,)), ((), ())),
        preferred_element_type=jnp.float32)


def _shared_kernel(h2_ref, res_ref, g_ref, u_ref, d_ref, o_ref):
    e = pl.program_id(0)
    h2 = h2_ref[...]
    gate = jax.lax.dot_general(
        h2, g_ref[0], (((1,), (0,)), ((), ())), preferred_element_type=jnp.float32
    )
    up = jax.lax.dot_general(
        h2, u_ref[0], (((1,), (0,)), ((), ())), preferred_element_type=jnp.float32
    )
    act = (gate * jax.nn.sigmoid(gate) * up).astype(jnp.bfloat16)
    out = jax.lax.dot_general(
        act, d_ref[0], (((1,), (0,)), ((), ())), preferred_element_type=jnp.float32
    )
    contrib = out * (1.0 / (NS * NS))

    @pl.when(e == 0)
    def _init():
        o_ref[...] = res_ref[...] + contrib

    @pl.when(e != 0)
    def _acc():
        o_ref[...] += contrib


def _gffn_kernel(em_ref, h2_ref, w_ref, g_ref, u_ref, d_ref, o_ref):
    del em_ref
    h2 = h2_ref[...].astype(jnp.bfloat16)
    gate = jax.lax.dot_general(
        h2, g_ref[0], (((1,), (0,)), ((), ())), preferred_element_type=jnp.float32
    )
    up = jax.lax.dot_general(
        h2, u_ref[0], (((1,), (0,)), ((), ())), preferred_element_type=jnp.float32
    )
    act = (gate * jax.nn.sigmoid(gate) * up).astype(jnp.bfloat16)
    out = jax.lax.dot_general(
        act, d_ref[0], (((1,), (0,)), ((), ())), preferred_element_type=jnp.float32
    )
    o_ref[...] = out * w_ref[...]


def _combine_kernel(sh_ref, oc_ref, o_ref):
    o_ref[...] = sh_ref[...] + oc_ref[0] + oc_ref[1]


def _make_sc_gather(n_rows, d, m, chunk):
    info = plsc.get_sparse_core_info()
    nw = info.num_cores * info.num_subcores
    per_w = m // nw
    assert per_w % chunk == 0 and chunk % 8 == 0
    mesh = plsc.VectorSubcoreMesh(core_axis_name="c", subcore_axis_name="s")

    @functools.partial(
        pl.kernel,
        out_type=jax.ShapeDtypeStruct((m, d), jnp.float32),
        mesh=mesh,
        scratch_types=[
            pltpu.VMEM((chunk,), jnp.int32),
            pltpu.VMEM((chunk, d), jnp.float32),
            pltpu.SemaphoreType.DMA,
        ],
    )
    def gather(table_hbm, idx_hbm, out_hbm, idx_v, rows_v, sem):
        wid = jax.lax.axis_index("s") * info.num_cores + jax.lax.axis_index("c")
        base = wid * per_w
        for it in range(per_w // chunk):
            off = base + it * chunk
            pltpu.sync_copy(idx_hbm.at[pl.ds(off, chunk)], idx_v)
            pltpu.async_copy(table_hbm.at[idx_v], rows_v, sem).wait()
            pltpu.sync_copy(rows_v, out_hbm.at[pl.ds(off, chunk)])

    return gather


def kernel(x, ln1_w, ln2_w, Wkv_d, Wq_d, Wk_u, Wq_u, Wv_u, Wrk, Wrq, Wo, Wr,
           rbias, sg, su, sd, rg, ru, rd):
    b, s, _ = x.shape
    x2 = x.reshape(s, D)
    h = _rmsnorm(x2, ln1_w)
    hb = h.astype(jnp.bfloat16)
    kv = hb @ Wkv_d.astype(jnp.bfloat16)
    ql = hb @ Wq_d.astype(jnp.bfloat16)
    k_n = (kv @ Wk_u.astype(jnp.bfloat16)).reshape(s, H, HHD)
    q_n = (ql @ Wq_u.astype(jnp.bfloat16)).reshape(s, H, HHD)
    v = (kv @ Wv_u.astype(jnp.bfloat16)).reshape(s, H, HD)
    qr = (ql @ Wrq.astype(jnp.bfloat16)).reshape(s, H, HHD)
    kr = (hb @ Wrk.astype(jnp.bfloat16)).reshape(s, H, HHD)

    inv = 1.0 / (10000.0 ** (jnp.arange(0, HHD, 2, dtype=jnp.float32) / HHD))
    t = jnp.arange(s, dtype=jnp.float32)
    fr = jnp.outer(t, inv)
    emb = jnp.concatenate([fr, fr], axis=-1)
    cos = jnp.cos(emb)[:, None, :]
    sin = jnp.sin(emb)[:, None, :]

    def _rot(z):
        z1, z2 = jnp.split(z, 2, axis=-1)
        return jnp.concatenate([-z2, z1], axis=-1)

    kr = (kr * cos + _rot(kr) * sin).astype(jnp.bfloat16)
    qr = (qr * cos + _rot(qr) * sin).astype(jnp.bfloat16)

    k = jnp.concatenate([k_n, kr], axis=-1).transpose(1, 0, 2)
    q = (jnp.concatenate([q_n, qr], axis=-1).astype(jnp.float32)
         * 0.125).astype(jnp.bfloat16).transpose(1, 0, 2)
    v = v.transpose(1, 0, 2)
    va = jnp.concatenate([v, jnp.ones((H, s, 1), jnp.bfloat16)], axis=-1)

    y = pl.pallas_call(
        functools.partial(_attn_kernel, bq=_BQ, s=s),
        grid=(H,),
        in_specs=[
            pl.BlockSpec((1, s, HD), lambda hh: (hh, 0, 0)),
            pl.BlockSpec((1, s, HD), lambda hh: (hh, 0, 0)),
            pl.BlockSpec((1, s, HD + 1), lambda hh: (hh, 0, 0)),
        ],
        out_specs=pl.BlockSpec((1, s, HD), lambda hh: (hh, 0, 0)),
        out_shape=jax.ShapeDtypeStruct((H, s, HD), jnp.bfloat16),
    )(q, k, va)

    y2 = y.transpose(1, 0, 2).reshape(s, H * HD)
    xa = pl.pallas_call(
        _proj_kernel,
        in_specs=[
            pl.BlockSpec((s, H * HD), lambda: (0, 0)),
            pl.BlockSpec((H * HD, D), lambda: (0, 0)),
            pl.BlockSpec((s, D), lambda: (0, 0)),
        ],
        out_specs=pl.BlockSpec((s, D), lambda: (0, 0)),
        out_shape=jax.ShapeDtypeStruct((s, D), jnp.float32),
    )(y2, Wo.astype(jnp.bfloat16), x2)

    h2 = _rmsnorm(xa, ln2_w)
    logits = h2 @ Wr + rbias
    probs = jax.nn.sigmoid(logits)
    scores, idx = jax.lax.top_k(probs, TK)
    scores = scores / jnp.sum(scores, axis=-1, keepdims=True)

    p = s * TK
    e_p = idx.reshape(p).astype(jnp.int32)
    w_p = scores.reshape(p)
    oh = (e_p[:, None] == jnp.arange(NR, dtype=jnp.int32)[None, :]).astype(
        jnp.int32)
    csum = jnp.cumsum(oh, axis=0)
    cnt = csum[-1]
    rank = jnp.take_along_axis(csum, e_p[:, None], axis=1)[:, 0] - 1
    cap = ((cnt + _BRT - 1) // _BRT) * _BRT
    cap_end = jnp.cumsum(cap)
    off = cap_end - cap
    ppos = off[e_p] + rank
    toks = (jnp.arange(p, dtype=jnp.int32) // TK)
    tok_pad = jnp.zeros((P_PAD,), jnp.int32).at[ppos].set(toks)
    w_pad = jnp.zeros((P_PAD,), jnp.float32).at[ppos].set(w_p)
    emap = jnp.minimum(
        jnp.searchsorted(cap_end, jnp.arange(NBR, dtype=jnp.int32) * _BRT,
                         side='right'),
        NR - 1).astype(jnp.int32)
    pcat = jnp.concatenate([ppos[0::TK], ppos[1::TK]])

    h2b = h2.astype(jnp.bfloat16)
    sh = pl.pallas_call(
        _shared_kernel,
        grid=(NS,),
        in_specs=[
            pl.BlockSpec((s, D), lambda e: (0, 0)),
            pl.BlockSpec((s, D), lambda e: (0, 0)),
            pl.BlockSpec((1, D, IM), lambda e: (e, 0, 0)),
            pl.BlockSpec((1, D, IM), lambda e: (e, 0, 0)),
            pl.BlockSpec((1, IM, D), lambda e: (e, 0, 0)),
        ],
        out_specs=pl.BlockSpec((s, D), lambda e: (0, 0)),
        out_shape=jax.ShapeDtypeStruct((s, D), jnp.float32),
    )(h2b, xa, sg.astype(jnp.bfloat16), su.astype(jnp.bfloat16),
      sd.astype(jnp.bfloat16))

    h2g = jnp.take(h2, tok_pad, axis=0)

    og = pl.pallas_call(
        _gffn_kernel,
        grid_spec=pltpu.PrefetchScalarGridSpec(
            num_scalar_prefetch=1,
            grid=(NBR,),
            in_specs=[
                pl.BlockSpec((_BRT, D), lambda bb, em: (bb, 0)),
                pl.BlockSpec((_BRT, 1), lambda bb, em: (bb, 0)),
                pl.BlockSpec((1, D, IM), lambda bb, em: (em[bb], 0, 0)),
                pl.BlockSpec((1, D, IM), lambda bb, em: (em[bb], 0, 0)),
                pl.BlockSpec((1, IM, D), lambda bb, em: (em[bb], 0, 0)),
            ],
            out_specs=pl.BlockSpec((_BRT, D), lambda bb, em: (bb, 0)),
        ),
        out_shape=jax.ShapeDtypeStruct((P_PAD, D), jnp.float32),
    )(emap, h2g, w_pad[:, None], rg.astype(jnp.bfloat16),
      ru.astype(jnp.bfloat16), rd.astype(jnp.bfloat16))

    oc = jnp.take(og, pcat, axis=0).reshape(2, s, D)

    out = pl.pallas_call(
        _combine_kernel,
        in_specs=[
            pl.BlockSpec((s, D), lambda: (0, 0)),
            pl.BlockSpec((2, s, D), lambda: (0, 0, 0)),
        ],
        out_specs=pl.BlockSpec((s, D), lambda: (0, 0)),
        out_shape=jax.ShapeDtypeStruct((s, D), jnp.float32),
    )(sh, oc)

    return out.reshape(b, s, D)

# --- scband reference (transcript-rebuilt; emitter-appended) ---
"""Pipeline reference for scband-deep-seek-block-74019466379283 (READ-ONLY COPY).

The authoritative reference and input builder live on the scoring server;
editing this copy changes nothing except your own understanding.
"""

import jax, jax.numpy as jnp
import numpy as np

H = 16; HD = 64; HHD = 32; D = 1024; L = 256; NR = 14; NS = 2; IM = 256; TK = 2; B = 1; S = 2048

def silu(v):
    return v * jax.nn.sigmoid(v)

def rmsnorm(x, w, eps=1e-5):
    n = jnp.sqrt(jnp.mean(x * x, axis=-1, keepdims=True)) + eps
    return x / n * w

def rotate_half(x):
    x1, x2 = jnp.split(x, 2, axis=-1)
    return jnp.concatenate([-x2, x1], axis=-1)

def setup_inputs(seed: int = 0):
    key = jax.random.key(seed)
    ks = jax.random.split(key, 24)
    def w(i, shape):
        return jax.random.normal(ks[i], shape, dtype=jnp.float32) * 0.02
    inp = {}
    inp['x'] = jax.random.normal(ks[0], (B, S, D), dtype=jnp.float32)
    inp['ln1_w'] = jnp.ones((D,), jnp.float32)
    inp['ln2_w'] = jnp.ones((D,), jnp.float32)
    inp['Wkv_d'] = w(1, (D, L))
    inp['Wq_d'] = w(2, (D, L))
    inp['Wk_u'] = w(3, (L, H * HHD))
    inp['Wq_u'] = w(4, (L, H * HHD))
    inp['Wv_u'] = w(5, (L, D))
    inp['Wrk'] = w(6, (D, D // 2))
    inp['Wrq'] = w(7, (L, D // 2))
    inp['Wo'] = w(8, (D, D))
    inp['Wr'] = w(9, (D, NR))
    inp['rbias'] = jnp.zeros((NR,), jnp.float32)
    inp['sg'] = w(10, (NS, D, IM))
    inp['su'] = w(11, (NS, D, IM))
    inp['sd'] = w(12, (NS, IM, D))
    inp['rg'] = w(13, (NR, D, IM))
    inp['ru'] = w(14, (NR, D, IM))
    inp['rd'] = w(15, (NR, IM, D))
    return inp

def forward(x, ln1_w, ln2_w, Wkv_d, Wq_d, Wk_u, Wq_u, Wv_u, Wrk, Wrq, Wo, Wr, rbias, sg, su, sd, rg, ru, rd):
    b, s, _ = x.shape
    h = rmsnorm(x, ln1_w)
    kv = h @ Wkv_d
    ql = h @ Wq_d
    k = (kv @ Wk_u).reshape(b, s, H, HHD)
    q = (ql @ Wq_u).reshape(b, s, H, HHD)
    v = (kv @ Wv_u).reshape(b, s, H, HD)
    qr = (ql @ Wrq).reshape(b, s, H, HHD)
    kr = (h @ Wrk).reshape(b, s, H, HHD)
    inv = 1.0 / (10000.0 ** (jnp.arange(0, HHD, 2, dtype=jnp.float32) / HHD))
    t = jnp.arange(s, dtype=jnp.float32)
    fr = jnp.outer(t, inv)
    emb = jnp.concatenate([fr, fr], axis=-1)
    cos = jnp.cos(emb)[None, :, None, :]
    sin = jnp.sin(emb)[None, :, None, :]
    kr = kr * cos + rotate_half(kr) * sin
    qr = qr * cos + rotate_half(qr) * sin
    k = jnp.concatenate([k, kr], axis=-1).transpose(0, 2, 1, 3)
    q = jnp.concatenate([q, qr], axis=-1).transpose(0, 2, 1, 3)
    v = v.transpose(0, 2, 1, 3)
    scale = 1.0 / jnp.sqrt(jnp.float32(HD))
    att = jnp.einsum('bhsd,bhtd->bhst', q, k) * scale
    mask = jnp.tril(jnp.ones((s, s), dtype=bool))
    att = jnp.where(mask[None, None], att, jnp.float32(-1e30))
    att = jax.nn.softmax(att, axis=-1)
    y = jnp.einsum('bhst,bhtd->bhsd', att, v).transpose(0, 2, 1, 3).reshape(b, s, D)
    x = x + y @ Wo
    h2 = rmsnorm(x, ln2_w)
    sh = silu(jnp.einsum('bsd,edf->besf', h2, sg)) * jnp.einsum('bsd,edf->besf', h2, su)
    shared_out = jnp.einsum('besf,efd->besd', sh, sd).sum(axis=1) / NS
    if NS > 1:
        shared_out = shared_out / NS
    logits = h2 @ Wr + rbias
    probs = jax.nn.sigmoid(logits)
    scores, idx = jax.lax.top_k(probs, TK)
    scores = scores / jnp.sum(scores, axis=-1, keepdims=True)
    wd = jnp.zeros((b, s, NR), jnp.float32)
    for kk in range(TK):
        wd = wd + jax.nn.one_hot(idx[..., kk], NR, dtype=jnp.float32) * scores[..., kk:kk + 1]
    rh = silu(jnp.einsum('bsd,edf->besf', h2, rg)) * jnp.einsum('bsd,edf->besf', h2, ru)
    rout = jnp.einsum('besf,efd->besd', rh, rd)
    combined = jnp.einsum('besd,bse->bsd', rout, wd)
    return x + shared_out + combined

def reference(x, ln1_w, ln2_w, Wkv_d, Wq_d, Wk_u, Wq_u, Wv_u, Wrk, Wrq, Wo, Wr, rbias, sg, su, sd, rg, ru, rd):
    return forward(x, ln1_w, ln2_w, Wkv_d, Wq_d, Wk_u, Wq_u, Wv_u, Wrk, Wrq, Wo, Wr, rbias, sg, su, sd, rg, ru, rd)

if __name__ == "__main__":
    import jax
    _d = setup_inputs()
    print(jax.jit(kernel)(*tuple(_d.values())))

</pallas_src>

<mosaic_0001>
module attributes {stable_mosaic.version = 14 : i64} {
  func.func @_attn_kernel(%arg0: i32, %arg1: memref<1x2048x64xbf16, #tpu.memory_space<vmem>>, %arg2: memref<1x2048x64xbf16, #tpu.memory_space<vmem>>, %arg3: memref<1x2048x65xbf16, #tpu.memory_space<vmem>>, %arg4: memref<1x2048x64xbf16, #tpu.memory_space<vmem>>) attributes {dimension_semantics = [#tpu.dimension_semantics<arbitrary>], iteration_bounds = array<i64: 16>, scalar_prefetch = 0 : i64, scratch_operands = 0 : i64, tpu.core_type = #tpu.core_type<tc>, window_params = [{transform_indices = @transform_0, window_bounds = array<i64: 1, 2048, 64>}, {transform_indices = @transform_1, window_bounds = array<i64: 1, 2048, 64>}, {transform_indices = @transform_2, window_bounds = array<i64: 1, 2048, 65>}, {transform_indices = @transform_3, window_bounds = array<i64: 1, 2048, 64>}]} {
    %iota3A = tpu.iota {dimensions = array<i32: 0>} : vector<256x256xi32>
    %iota3A_0 = tpu.iota {dimensions = array<i32: 1>} : vector<256x256xi32>
    %le3A = arith.cmpi sle, %iota3A_0, %iota3A : vector<256x256xi32>
    %get3A = arith.constant 0 : index
    %get3A_1 = arith.constant 0 : index
    %get3A_2 = arith.constant 0 : index
    %get3A_3 = vector.load %arg1[%get3A, %get3A_1, %get3A_2] : memref<1x2048x64xbf16, #tpu.memory_space<vmem>>, vector<1x256x64xbf16>
    %get3A_4 = vector.shape_cast %get3A_3 : vector<1x256x64xbf16> to vector<256x64xbf16>
    %broadcast_in_dim3A = arith.constant 0.000000e+00 : f32
    %broadcast_in_dim3A_5 = vector.broadcast %broadcast_in_dim3A : f32 to vector<256x65xf32>
    %get3A_6 = arith.constant 0 : index
    %get3A_7 = arith.constant 0 : index
    %get3A_8 = arith.constant 0 : index
    %get3A_9 = vector.load %arg2[%get3A_6, %get3A_7, %get3A_8] : memref<1x2048x64xbf16, #tpu.memory_space<vmem>>, vector<1x256x64xbf16>
    %get3A_10 = vector.shape_cast %get3A_9 : vector<1x256x64xbf16> to vector<256x64xbf16>
    %dot_general3A = arith.constant dense<0.000000e+00> : vector<256x256xf32>
    %dot_general3A_11 = tpu.matmul %get3A_4, %get3A_10, %dot_general3A {dimension_numbers = #tpu.dot_dimension_numbers<[1], [1], [0], [0], [0, 0, 1, 0], [], []>, transpose_lhs_hint = false} : vector<256x64xbf16>, vector<256x64xbf16>, vector<256x256xf32> -> vector<256x256xf32>
    %min3A = arith.constant 6.000000e+01 : f32
    %min3A_12 = vector.broadcast %min3A : f32 to vector<256x256xf32>
    %min3A_13 = arith.minimumf %dot_general3A_11, %min3A_12 : vector<256x256xf32>
    %exp3A = math.exp %min3A_13 : vector<256x256xf32>
    %jit3A = arith.constant 0.000000e+00 : f32
    %broadcast_in_dim3A_14 = vector.broadcast %jit3A : f32 to vector<256x256xf32>
    %select_n3A = arith.select %le3A, %exp3A, %broadcast_in_dim3A_14 : vector<256x256xi1>, vector<256x256xf32>
    %get3A_15 = arith.constant 0 : index
    %get3A_16 = arith.constant 0 : index
    %get3A_17 = arith.constant 0 : index
    %get3A_18 = vector.load %arg3[%get3A_15, %get3A_16, %get3A_17] : memref<1x2048x65xbf16, #tpu.memory_space<vmem>>, vector<1x256x65xbf16>
    %get3A_19 = vector.shape_cast %get3A_18 : vector<1x256x65xbf16> to vector<256x65xbf16>
    %convert_element_type3A = arith.truncf %select_n3A : vector<256x256xf32> to vector<256x256xbf16>
    %dot_general3A_20 = arith.constant dense<0.000000e+00> : vector<256x65xf32>
    %dot_general3A_21 = tpu.matmul %convert_element_type3A, %get3A_19, %dot_general3A_20 {dimension_numbers = #tpu.dot_dimension_numbers<[1], [0], [0], [1], [0, 0, 1, 1], [], []>, transpose_lhs_hint = false} : vector<256x256xbf16>, vector<256x65xbf16>, vector<256x65xf32> -> vector<256x65xf32>
    %add3A = arith.addf %broadcast_in_dim3A_5, %dot_general3A_21 : vector<256x65xf32>
    %slice3A = vector.extract_strided_slice %add3A {offsets = [0, 0], sizes = [256, 64], strides = [1, 1]} : vector<256x65xf32> to vector<256x64xf32>
    %slice3A_22 = vector.extract_strided_slice %add3A {offsets = [0, 64], sizes = [256, 1], strides = [1, 1]} : vector<256x65xf32> to vector<256x1xf32>
    %div3A = vector.broadcast %slice3A_22 : vector<256x1xf32> to vector<256x64xf32>
    %div3A_23 = arith.divf %slice3A, %div3A : vector<256x64xf32>
    %convert_element_type3A_24 = arith.truncf %div3A_23 : vector<256x64xf32> to vector<256x64xbf16>
    %swap3A = arith.constant 0 : index
    %swap3A_25 = arith.constant 0 : index
    %swap3A_26 = arith.constant 0 : index
    %swap3A_27 = vector.load %arg4[%swap3A, %swap3A_25, %swap3A_26] : memref<1x2048x64xbf16, #tpu.memory_space<vmem>>, vector<1x256x64xbf16>
    %swap3A_28 = vector.shape_cast %swap3A_27 : vector<1x256x64xbf16> to vector<256x64xbf16>
    %swap3A_29 = vector.shape_cast %convert_element_type3A_24 : vector<256x64xbf16> to vector<1x256x64xbf16>
    tpu.vector_store %arg4[%swap3A, %swap3A_25, %swap3A_26], %swap3A_29 {strides = array<i32>} : memref<1x2048x64xbf16, #tpu.memory_space<vmem>>, vector<1x256x64xbf16>,
    %get3A_30 = arith.constant 0 : index
    %get3A_31 = arith.constant 256 : index
    %get3A_32 = arith.constant 0 : index
    %get3A_33 = vector.load %arg1[%get3A_30, %get3A_31, %get3A_32] : memref<1x2048x64xbf16, #tpu.memory_space<vmem>>, vector<1x256x64xbf16>
    %get3A_34 = vector.shape_cast %get3A_33 : vector<1x256x64xbf16> to vector<256x64xbf16>
    %broadcast_in_dim3A_35 = arith.constant 0.000000e+00 : f32
    %broadcast_in_dim3A_36 = vector.broadcast %broadcast_in_dim3A_35 : f32 to vector<256x65xf32>
    %get3A_37 = arith.constant 0 : index
    %get3A_38 = arith.constant 0 : index
    %get3A_39 = arith.constant 0 : index
    %get3A_40 = vector.load %arg2[%get3A_37, %get3A_38, %get3A_39] : memref<1x2048x64xbf16, #tpu.memory_space<vmem>>, vector<1x256x64xbf16>
    %get3A_41 = vector.shape_cast %get3A_40 : vector<1x256x64xbf16> to vector<256x64xbf16>
    %dot_general3A_42 = arith.constant dense<0.000000e+00> : vector<256x256xf32>
    %dot_general3A_43 = tpu.matmul %get3A_34, %get3A_41, %dot_general3A_42 {dimension_numbers = #tpu.dot_dimension_numbers<[1], [1], [0], [0], [0, 0, 1, 0], [], []>, transpose_lhs_hint = false} : vector<256x64xbf16>, vector<256x64xbf16>, vector<256x256xf32> -> vector<256x256xf32>
    %min3A_44 = arith.constant 6.000000e+01 : f32
    %min3A_45 = vector.broadcast %min3A_44 : f32 to vector<256x256xf32>
    %min3A_46 = arith.minimumf %dot_general3A_43, %min3A_45 : vector<256x256xf32>
    %exp3A_47 = math.exp %min3A_46 : vector<256x256xf32>
    %get3A_48 = arith.constant 0 : index
    %get3A_49 = arith.constant 0 : index
    %get3A_50 = arith.constant 0 : index
    %get3A_51 = vector.load %arg3[%get3A_48, %get3A_49, %get3A_50] : memref<1x2048x65xbf16, #tpu.memory_space<vmem>>, vector<1x256x65xbf16>
    %get3A_52 = vector.shape_cast %get3A_51 : vector<1x256x65xbf16> to vector<256x65xbf16>
    %convert_element_type3A_53 = arith.truncf %exp3A_47 : vector<256x256xf32> to vector<256x256xbf16>
    %dot_general3A_54 = arith.constant dense<0.000000e+00> : vector<256x65xf32>
    %dot_general3A_55 = tpu.matmul %convert_element_type3A_53, %get3A_52, %dot_general3A_54 {dimension_numbers = #tpu.dot_dimension_numbers<[1], [0], [0], [1], [0, 0, 1, 1], [], []>, transpose_lhs_hint = false} : vector<256x256xbf16>, vector<256x65xbf16>, vector<256x65xf32> -> vector<256x65xf32>
    %add3A_56 = arith.addf %broadcast_in_dim3A_36, %dot_general3A_55 : vector<256x65xf32>
    %get3A_57 = arith.constant 0 : index
    %get3A_58 = arith.constant 256 : index
    %get3A_59 = arith.constant 0 : index
    %get3A_60 = vector.load %arg2[%get3A_57, %get3A_58, %get3A_59] : memref<1x2048x64xbf16, #tpu.memory_space<vmem>>, vector<1x256x64xbf16>
    %get3A_61 = vector.shape_cast %get3A_60 : vector<1x256x64xbf16> to vector<256x64xbf16>
    %dot_general3A_62 = arith.constant dense<0.000000e+00> : vector<256x256xf32>
    %dot_general3A_63 = tpu.matmul %get3A_34, %get3A_61, %dot_general3A_62 {dimension_numbers = #tpu.dot_dimension_numbers<[1], [1], [0], [0], [0, 0, 1, 0], [], []>, transpose_lhs_hint = false} : vector<256x64xbf16>, vector<256x64xbf16>, vector<256x256xf32> -> vector<256x256xf32>
    %min3A_64 = arith.constant 6.000000e+01 : f32
    %min3A_65 = vector.broadcast %min3A_64 : f32 to vector<256x256xf32>
    %min3A_66 = arith.minimumf %dot_general3A_63, %min3A_65 : vector<256x256xf32>
    %exp3A_67 = math.exp %min3A_66 : vector<256x256xf32>
    %jit3A_68 = arith.constant 0.000000e+00 : f32
    %broadcast_in_dim3A_69 = vector.broadcast %jit3A_68 : f32 to vector<256x256xf32>
    %select_n3A_70 = arith.select %le3A, %exp3A_67, %broadcast_in_dim3A_69 : vector<256x256xi1>, vector<256x256xf32>
    %get3A_71 = arith.constant 0 : index
    %get3A_72 = arith.constant 256 : index
    %get3A_73 = arith.constant 0 : index
    %get3A_74 = vector.load %arg3[%get3A_71, %get3A_72, %get3A_73] : memref<1x2048x65xbf16, #tpu.memory_space<vmem>>, vector<1x256x65xbf16>
    %get3A_75 = vector.shape_cast %get3A_74 : vector<1x256x65xbf16> to vector<256x65xbf16>
    %convert_element_type3A_76 = arith.truncf %select_n3A_70 : vector<256x256xf32> to vector<256x256xbf16>
    %dot_general3A_77 = arith.constant dense<0.000000e+00> : vector<256x65xf32>
    %dot_general3A_78 = tpu.matmul %convert_element_type3A_76, %get3A_75, %dot_general3A_77 {dimension_numbers = #tpu.dot_dimension_numbers<[1], [0], [0], [1], [0, 0, 1, 1], [], []>, transpose_lhs_hint = false} : vector<256x256xbf16>, vector<256x65xbf16>, vector<256x65xf32> -> vector<256x65xf32>
    %add3A_79 = arith.addf %add3A_56, %dot_general3A_78 : vector<256x65xf32>
    %slice3A_80 = vector.extract_strided_slice %add3A_79 {offsets = [0, 0], sizes = [256, 64], strides = [1, 1]} : vector<256x65xf32> to vector<256x64xf32>
    %slice3A_81 = vector.extract_strided_slice %add3A_79 {offsets = [0, 64], sizes = [256, 1], strides = [1, 1]} : vector<256x65xf32> to vector<256x1xf32>
    %div3A_82 = vector.broadcast %slice3A_81 : vector<256x1xf32> to vector<256x64xf32>
    %div3A_83 = arith.divf %slice3A_80, %div3A_82 : vector<256x64xf32>
    %convert_element_type3A_84 = arith.truncf %div3A_83 : vector<256x64xf32> to vector<256x64xbf16>
    %swap3A_85 = arith.constant 0 : index
    %swap3A_86 = arith.constant 256 : index
    %swap3A_87 = arith.constant 0 : index
    %swap3A_88 = vector.load %arg4[%swap3A_85, %swap3A_86, %swap3A_87] : memref<1x2048x64xbf16, #tpu.memory_space<vmem>>, vector<1x256x64xbf16>
    %swap3A_89 = vector.shape_cast %swap3A_88 : vector<1x256x64xbf16> to vector<256x64xbf16>
    %swap3A_90 = vector.shape_cast %convert_element_type3A_84 : vector<256x64xbf16> to vector<1x256x64xbf16>
    tpu.vector_store %arg4[%swap3A_85, %swap3A_86, %swap3A_87], %swap3A_90 {strides = array<i32>} : memref<1x2048x64xbf16, #tpu.memory_space<vmem>>, vector<1x256x64xbf16>,
    %get3A_91 = arith.constant 0 : index
    %get3A_92 = arith.constant 512 : index
    %get3A_93 = arith.constant 0 : index
    %get3A_94 = vector.load %arg1[%get3A_91, %get3A_92, %get3A_93] : memref<1x2048x64xbf16, #tpu.memory_space<vmem>>, vector<1x256x64xbf16>
    %get3A_95 = vector.shape_cast %get3A_94 : vector<1x256x64xbf16> to vector<256x64xbf16>
    %broadcast_in_dim3A_96 = arith.constant 0.000000e+00 : f32
    %broadcast_in_dim3A_97 = vector.broadcast %broadcast_in_dim3A_96 : f32 to vector<256x65xf32>
    %get3A_98 = arith.constant 0 : index
    %get3A_99 = arith.constant 0 : index
    %get3A_100 = arith.constant 0 : index
    %get3A_101 = vector.load %arg2[%get3A_98, %get3A_99, %get3A_100] : memref<1x2048x64xbf16, #tpu.memory_space<vmem>>, vector<1x256x64xbf16>
    %get3A_102 = vector.shape_cast %get3A_101 : vector<1x256x64xbf16> to vector<256x64xbf16>
    %dot_general3A_103 = arith.constant dense<0.000000e+00> : vector<256x256xf32>
    %dot_general3A_104 = tpu.matmul %get3A_95, %get3A_102, %dot_general3A_103 {dimension_numbers = #tpu.dot_dimension_numbers<[1], [1], [0], [0], [0, 0, 1, 0], [], []>, transpose_lhs_hint = false} : vector<256x64xbf16>, vector<256x64xbf16>, vector<256x256xf32> -> vector<256x256xf32>
    %min3A_105 = arith.constant 6.000000e+01 : f32
    %min3A_106 = vector.broadcast %min3A_105 : f32 to vector<256x256xf32>
    %min3A_107 = arith.minimumf %dot_general3A_104, %min3A_106 : vector<256x256xf32>
    %exp3A_108 = math.exp %min3A_107 : vector<256x256xf32>
    %get3A_109 = arith.constant 0 : index
    %get3A_110 = arith.constant 0 : index
    %get3A_111 = arith.constant 0 : index
    %get3A_112 = vector.load %arg3[%get3A_109, %get3A_110, %get3A_111] : memref<1x2048x65xbf16, #tpu.memory_space<vmem>>, vector<1x256x65xbf16>
    %get3A_113 = vector.shape_cast %get3A_112 : vector<1x256x65xbf16> to vector<256x65xbf16>
    %convert_element_type3A_114 = arith.truncf %exp3A_108 : vector<256x256xf32> to vector<256x256xbf16>
    %dot_general3A_115 = arith.constant dense<0.000000e+00> : vector<256x65xf32>
    %dot_general3A_116 = tpu.matmul %convert_element_type3A_114, %get3A_113, %dot_general3A_115 {dimension_numbers = #tpu.dot_dimension_numbers<[1], [0], [0], [1], [0, 0, 1, 1], [], []>, transpose_lhs_hint = false} : vector<256x256xbf16>, vector<256x65xbf16>, vector<256x65xf32> -> vector<256x65xf32>
    %add3A_117 = arith.addf %broadcast_in_dim3A_97, %dot_general3A_116 : vector<256x65xf32>
    %get3A_118 = arith.constant 0 : index
    %get3A_119 = arith.constant 256 : index
    %get3A_120 = arith.constant 0 : index
    %get3A_121 = vector.load %arg2[%get3A_118, %get3A_119, %get3A_120] : memref<1x2048x64xbf16, #tpu.memory_space<vmem>>, vector<1x256x64xbf16>
    %get3A_122 = vector.shape_cast %get3A_121 : vector<1x256x64xbf16> to vector<256x64xbf16>
    %dot_general3A_123 = arith.constant dense<0.000000e+00> : vector<256x256xf32>
    %dot_general3A_124 = tpu.matmul %get3A_95, %get3A_122, %dot_general3A_123 {dimension_numbers = #tpu.dot_dimension_numbers<[1], [1], [0], [0], [0, 0, 1, 0], [], []>, transpose_lhs_hint = false} : vector<256x64xbf16>, vector<256x64xbf16>, vector<256x256xf32> -> vector<256x256xf32>
    %min3A_125 = arith.constant 6.000000e+01 : f32
    %min3A_126 = vector.broadcast %min3A_125 : f32 to vector<256x256xf32>
    %min3A_127 = arith.minimumf %dot_general3A_124, %min3A_126 : vector<256x256xf32>
    %exp3A_128 = math.exp %min3A_127 : vector<256x256xf32>
    %get3A_129 = arith.constant 0 : index
    %get3A_130 = arith.constant 256 : index
    %get3A_131 = arith.constant 0 : index
    %get3A_132 = vector.load %arg3[%get3A_129, %get3A_130, %get3A_131] : memref<1x2048x65xbf16, #tpu.memory_space<vmem>>, vector<1x256x65xbf16>
    %get3A_133 = vector.shape_cast %get3A_132 : vector<1x256x65xbf16> to vector<256x65xbf16>
    %convert_element_type3A_134 = arith.truncf %exp3A_128 : vector<256x256xf32> to vector<256x256xbf16>
    %dot_general3A_135 = arith.constant dense<0.000000e+00> : vector<256x65xf32>
    %dot_general3A_136 = tpu.matmul %convert_element_type3A_134, %get3A_133, %dot_general3A_135 {dimension_numbers = #tpu.dot_dimension_numbers<[1], [0], [0], [1], [0, 0, 1, 1], [], []>, transpose_lhs_hint = false} : vector<256x256xbf16>, vector<256x65xbf16>, vector<256x65xf32> -> vector<256x65xf32>
    %add3A_137 = arith.addf %add3A_117, %dot_general3A_136 : vector<256x65xf32>
    %get3A_138 = arith.constant 0 : index
    %get3A_139 = arith.constant 512 : index
    %get3A_140 = arith.constant 0 : index
    %get3A_141 = vector.load %arg2[%get3A_138, %get3A_139, %get3A_140] : memref<1x2048x64xbf16, #tpu.memory_space<vmem>>, vector<1x256x64xbf16>
    %get3A_142 = vector.shape_cast %get3A_141 : vector<1x256x64xbf16> to vector<256x64xbf16>
    %dot_general3A_143 = arith.constant dense<0.000000e+00> : vector<256x256xf32>
    %dot_general3A_144 = tpu.matmul %get3A_95, %get3A_142, %dot_general3A_143 {dimension_numbers = #tpu.dot_dimension_numbers<[1], [1], [0], [0], [0, 0, 1, 0], [], []>, transpose_lhs_hint = false} : vector<256x64xbf16>, vector<256x64xbf16>, vector<256x256xf32> -> vector<256x256xf32>
    %min3A_145 = arith.constant 6.000000e+01 : f32
    %min3A_146 = vector.broadcast %min3A_145 : f32 to vector<256x256xf32>
    %min3A_147 = arith.minimumf %dot_general3A_144, %min3A_146 : vector<256x256xf32>
    %exp3A_148 = math.exp %min3A_147 : vector<256x256xf32>
    %jit3A_149 = arith.constant 0.000000e+00 : f32
    %broadcast_in_dim3A_150 = vector.broadcast %jit3A_149 : f32 to vector<256x256xf32>
    %select_n3A_151 = arith.select %le3A, %exp3A_148, %broadcast_in_dim3A_150 : vector<256x256xi1>, vector<256x256xf32>
    %get3A_152 = arith.constant 0 : index
    %get3A_153 = arith.constant 512 : index
    %get3A_154 = arith.constant 0 : index
    %get3A_155 = vector.load %arg3[%get3A_152, %get3A_153, %get3A_154] : memref<1x2048x65xbf16, #tpu.memory_space<vmem>>, vector<1x256x65xbf16>
    %get3A_156 = vector.shape_cast %get3A_155 : vector<1x256x65xbf16> to vector<256x65xbf16>
    %convert_element_type3A_157 = arith.truncf %select_n3A_151 : vector<256x256xf32> to vector<256x256xbf16>
    %dot_general3A_158 = arith.constant dense<0.000000e+00> : vector<256x65xf32>
    %dot_general3A_159 = tpu.matmul %convert_element_type3A_157, %get3A_156, %dot_general3A_158 {dimension_numbers = #tpu.dot_dimension_numbers<[1], [0], [0], [1], [0, 0, 1, 1], [], []>, transpose_lhs_hint = false} : vector<256x256xbf16>, vector<256x65xbf16>, vector<256x65xf32> -> vector<256x65xf32>
    %add3A_160 = arith.addf %add3A_137, %dot_general3A_159 : vector<256x65xf32>
    %slice3A_161 = vector.extract_strided_slice %add3A_160 {offsets = [0, 0], sizes = [256, 64], strides = [1, 1]} : vector<256x65xf32> to vector<256x64xf32>
    %slice3A_162 = vector.extract_strided_slice %add3A_160 {offsets = [0, 64], sizes = [256, 1], strides = [1, 1]} : vector<256x65xf32> to vector<256x1xf32>
    %div3A_163 = vector.broadcast %slice3A_162 : vector<256x1xf32> to vector<256x64xf32>
    %div3A_164 = arith.divf %slice3A_161, %div3A_163 : vector<256x64xf32>
    %convert_element_type3A_165 = arith.truncf %div3A_164 : vector<256x64xf32> to vector<256x64xbf16>
    %swap3A_166 = arith.constant 0 : index
    %swap3A_167 = arith.constant 512 : index
    %swap3A_168 = arith.constant 0 : index
    %swap3A_169 = vector.load %arg4[%swap3A_166, %swap3A_167, %swap3A_168] : memref<1x2048x64xbf16, #tpu.memory_space<vmem>>, vector<1x256x64xbf16>
    %swap3A_170 = vector.shape_cast %swap3A_169 : vector<1x256x64xbf16> to vector<256x64xbf16>
    %swap3A_171 = vector.shape_cast %convert_element_type3A_165 : vector<256x64xbf16> to vector<1x256x64xbf16>
    tpu.vector_store %arg4[%swap3A_166, %swap3A_167, %swap3A_168], %swap3A_171 {strides = array<i32>} : memref<1x2048x64xbf16, #tpu.memory_space<vmem>>, vector<1x256x64xbf16>,
    %get3A_172 = arith.constant 0 : index
    %get3A_173 = arith.constant 768 : index
    %get3A_174 = arith.constant 0 : index
    %get3A_175 = vector.load %arg1[%get3A_172, %get3A_173, %get3A_174] : memref<1x2048x64xbf16, #tpu.memory_space<vmem>>, vector<1x256x64xbf16>
    %get3A_176 = vector.shape_cast %get3A_175 : vector<1x256x64xbf16> to vector<256x64xbf16>
    %broadcast_in_dim3A_177 = arith.constant 0.000000e+00 : f32
    %broadcast_in_dim3A_178 = vector.broadcast %broadcast_in_dim3A_177 : f32 to vector<256x65xf32>
    %get3A_179 = arith.constant 0 : index
    %get3A_180 = arith.constant 0 : index
    %get3A_181 = arith.constant 0 : index
    %get3A_182 = vector.load %arg2[%get3A_179, %get3A_180, %get3A_181] : memref<1x2048x64xbf16, #tpu.memory_space<vmem>>, vector<1x256x64xbf16>
    %get3A_183 = vector.shape_cast %get3A_182 : vector<1x256x64xbf16> to vector<256x64xbf16>
    %dot_general3A_184 = arith.constant dense<0.000000e+00> : vector<256x256xf32>
    %dot_general3A_185 = tpu.matmul %get3A_176, %get3A_183, %dot_general3A_184 {dimension_numbers = #tpu.dot_dimension_numbers<[1], [1], [0], [0], [0, 0, 1, 0], [], []>, transpose_lhs_hint = false} : vector<256x64xbf16>, vector<256x64xbf16>, vector<256x256xf32> -> vector<256x256xf32>
    %min3A_186 = arith.constant 6.000000e+01 : f32
    %min3A_187 = vector.broadcast %min3A_186 : f32 to vector<256x256xf32>
    %min3A_188 = arith.minimumf %dot_general3A_185, %min3A_187 : vector<256x256xf32>
    %exp3A_189 = math.exp %min3A_188 : vector<256x256xf32>
    %get3A_190 = arith.constant 0 : index
    %get3A_191 = arith.constant 0 : index
    %get3A_192 = arith.constant 0 : index
    %get3A_193 = vector.load %arg3[%get3A_190, %get3A_191, %get3A_192] : memref<1x2048x65xbf16, #tpu.memory_space<vmem>>, vector<1x256x65xbf16>
    %get3A_194 = vector.shape_cast %get3A_193 : vector<1x256x65xbf16> to vector<256x65xbf16>
    %convert_element_type3A_195 = arith.truncf %exp3A_189 : vector<256x256xf32> to vector<256x256xbf16>
    %dot_general3A_196 = arith.constant dense<0.000000e+00> : vector<256x65xf32>
    %dot_general3A_197 = tpu.matmul %convert_element_type3A_195, %get3A_194, %dot_general3A_196 {dimension_numbers = #tpu.dot_dimension_numbers<[1], [0], [0], [1], [0, 0, 1, 1], [], []>, transpose_lhs_hint = false} : vector<256x256xbf16>, vector<256x65xbf16>, vector<256x65xf32> -> vector<256x65xf32>
    %add3A_198 = arith.addf %broadcast_in_dim3A_178, %dot_general3A_197 : vector<256x65xf32>
    %get3A_199 = arith.constant 0 : index
    %get3A_200 = arith.constant 256 : index
    %get3A_201 = arith.constant 0 : index
    %get3A_202 = vector.load %arg2[%get3A_199, %get3A_200, %get3A_201] : memref<1x2048x64xbf16, #tpu.memory_space<vmem>>, vector<1x256x64xbf16>
    %get3A_203 = vector.shape_cast %get3A_202 : vector<1x256x64xbf16> to vector<256x64xbf16>
    %dot_general3A_204 = arith.constant dense<0.000000e+00> : vector<256x256xf32>
    %dot_general3A_205 = tpu.matmul %get3A_176, %get3A_203, %dot_general3A_204 {dimension_numbers = #tpu.dot_dimension_numbers<[1], [1], [0], [0], [0, 0, 1, 0], [], []>, transpose_lhs_hint = false} : vector<256x64xbf16>, vector<256x64xbf16>, vector<256x256xf32> -> vector<256x256xf32>
    %min3A_206 = arith.constant 6.000000e+01 : f32
    %min3A_207 = vector.broadcast %min3A_206 : f32 to vector<256x256xf32>
    %min3A_208 = arith.minimumf %dot_general3A_205, %min3A_207 : vector<256x256xf32>
    %exp3A_209 = math.exp %min3A_208 : vector<256x256xf32>
    %get3A_210 = arith.constant 0 : index
    %get3A_211 = arith.constant 256 : index
    %get3A_212 = arith.constant 0 : index
    %get3A_213 = vector.load %arg3[%get3A_210, %get3A_211, %get3A_212] : memref<1x2048x65xbf16, #tpu.memory_space<vmem>>, vector<1x256x65xbf16>
    %get3A_214 = vector.shape_cast %get3A_213 : vector<1x256x65xbf16> to vector<256x65xbf16>
    %convert_element_type3A_215 = arith.truncf %exp3A_209 : vector<256x256xf32> to vector<256x256xbf16>
    %dot_general3A_216 = arith.constant dense<0.000000e+00> : vector<256x65xf32>
    %dot_general3A_217 = tpu.matmul %convert_element_type3A_215, %get3A_214, %dot_general3A_216 {dimension_numbers = #tpu.dot_dimension_numbers<[1], [0], [0], [1], [0, 0, 1, 1], [], []>, transpose_lhs_hint = false} : vector<256x256xbf16>, vector<256x65xbf16>, vector<256x65xf32> -> vector<256x65xf32>
    %add3A_218 = arith.addf %add3A_198, %dot_general3A_217 : vector<256x65xf32>
    %get3A_219 = arith.constant 0 : index
    %get3A_220 = arith.constant 512 : index
    %get3A_221 = arith.constant 0 : index
    %get3A_222 = vector.load %arg2[%get3A_219, %get3A_220, %get3A_221] : memref<1x2048x64xbf16, #tpu.memory_space<vmem>>, vector<1x256x64xbf16>
    %get3A_223 = vector.shape_cast %get3A_222 : vector<1x256x64xbf16> to vector<256x64xbf16>
    %dot_general3A_224 = arith.constant dense<0.000000e+00> : vector<256x256xf32>
    %dot_general3A_225 = tpu.matmul %get3A_176, %get3A_223, %dot_general3A_224 {dimension_numbers = #tpu.dot_dimension_numbers<[1], [1], [0], [0], [0, 0, 1, 0], [], []>, transpose_lhs_hint = false} : vector<256x64xbf16>, vector<256x64xbf16>, vector<256x256xf32> -> vector<256x256xf32>
    %min3A_226 = arith.constant 6.000000e+01 : f32
    %min3A_227 = vector.broadcast %min3A_226 : f32 to vector<256x256xf32>
    %min3A_228 = arith.minimumf %dot_general3A_225, %min3A_227 : vector<256x256xf32>
    %exp3A_229 = math.exp %min3A_228 : vector<256x256xf32>
    %get3A_230 = arith.constant 0 : index
    %get3A_231 = arith.constant 512 : index
    %get3A_232 = arith.constant 0 : index
    %get3A_233 = vector.load %arg3[%get3A_230, %get3A_231, %get3A_232] : memref<1x2048x65xbf16, #tpu.memory_space<vmem>>, vector<1x256x65xbf16>
    %get3A_234 = vector.shape_cast %get3A_233 : vector<1x256x65xbf16> to vector<256x65xbf16>
    %convert_element_type3A_235 = arith.truncf %exp3A_229 : vector<256x256xf32> to vector<256x256xbf16>
    %dot_general3A_236 = arith.constant dense<0.000000e+00> : vector<256x65xf32>
    %dot_general3A_237 = tpu.matmul %convert_element_type3A_235, %get3A_234, %dot_general3A_236 {dimension_numbers = #tpu.dot_dimension_numbers<[1], [0], [0], [1], [0, 0, 1, 1], [], []>, transpose_lhs_hint = false} : vector<256x256xbf16>, vector<256x65xbf16>, vector<256x65xf32> -> vector<256x65xf32>
    %add3A_238 = arith.addf %add3A_218, %dot_general3A_237 : vector<256x65xf32>
    %get3A_239 = arith.constant 0 : index
    %get3A_240 = arith.constant 768 : index
    %get3A_241 = arith.constant 0 : index
    %get3A_242 = vector.load %arg2[%get3A_239, %get3A_240, %get3A_241] : memref<1x2048x64xbf16, #tpu.memory_space<vmem>>, vector<1x256x64xbf16>
    %get3A_243 = vector.shape_cast %get3A_242 : vector<1x256x64xbf16> to vector<256x64xbf16>
    %dot_general3A_244 = arith.constant dense<0.000000e+00> : vector<256x256xf32>
    %dot_general3A_245 = tpu.matmul %get3A_176, %get3A_243, %dot_general3A_244 {dimension_numbers = #tpu.dot_dimension_numbers<[1], [1], [0], [0], [0, 0, 1, 0], [], []>, transpose_lhs_hint = false} : vector<256x64xbf16>, vector<256x64xbf16>, vector<256x256xf32> -> vector<256x256xf32>
    %min3A_246 = arith.constant 6.000000e+01 : f32
    %min3A_247 = vector.broadcast %min3A_246 : f32 to vector<256x256xf32>
    %min3A_248 = arith.minimumf %dot_general3A_245, %min3A_247 : vector<256x256xf32>
    %exp3A_249 = math.exp %min3A_248 : vector<256x256xf32>
    %jit3A_250 = arith.constant 0.000000e+00 : f32
    %broadcast_in_dim3A_251 = vector.broadcast %jit3A_250 : f32 to vector<256x256xf32>
    %select_n3A_252 = arith.select %le3A, %exp3A_249, %broadcast_in_dim3A_251 : vector<256x256xi1>, vector<256x256xf32>
    %get3A_253 = arith.constant 0 : index
    %get3A_254 = arith.constant 768 : index
    %get3A_255 = arith.constant 0 : index
    %get3A_256 = vector.load %arg3[%get3A_253, %get3A_254, %get3A_255] : memref<1x2048x65xbf16, #tpu.memory_space<vmem>>, vector<1x256x65xbf16>
    %get3A_257 = vector.shape_cast %get3A_256 : vector<1x256x65xbf16> to vector<256x65xbf16>
    %convert_element_type3A_258 = arith.truncf %select_n3A_252 : vector<256x256xf32> to vector<256x256xbf16>
    %dot_general3A_259 = arith.constant dense<0.000000e+00> : vector<256x65xf32>
    %dot_general3A_260 = tpu.matmul %convert_element_type3A_258, %get3A_257, %dot_general3A_259 {dimension_numbers = #tpu.dot_dimension_numbers<[1], [0], [0], [1], [0, 0, 1, 1], [], []>, transpose_lhs_hint = false} : vector<256x256xbf16>, vector<256x65xbf16>, vector<256x65xf32> -> vector<256x65xf32>
    %add3A_261 = arith.addf %add3A_238, %dot_general3A_260 : vector<256x65xf32>
    %slice3A_262 = vector.extract_strided_slice %add3A_261 {offsets = [0, 0], sizes = [256, 64], strides = [1, 1]} : vector<256x65xf32> to vector<256x64xf32>
    %slice3A_263 = vector.extract_strided_slice %add3A_261 {offsets = [0, 64], sizes = [256, 1], strides = [1, 1]} : vector<256x65xf32> to vector<256x1xf32>
    %div3A_264 = vector.broadcast %slice3A_263 : vector<256x1xf32> to vector<256x64xf32>
    %div3A_265 = arith.divf %slice3A_262, %div3A_264 : vector<256x64xf32>
    %convert_element_type3A_266 = arith.truncf %div3A_265 : vector<256x64xf32> to vector<256x64xbf16>
    %swap3A_267 = arith.constant 0 : index
    %swap3A_268 = arith.constant 768 : index
    %swap3A_269 = arith.constant 0 : index
    %swap3A_270 = vector.load %arg4[%swap3A_267, %swap3A_268, %swap3A_269] : memref<1x2048x64xbf16, #tpu.memory_space<vmem>>, vector<1x256x64xbf16>
    %swap3A_271 = vector.shape_cast %swap3A_270 : vector<1x256x64xbf16> to vector<256x64xbf16>
    %swap3A_272 = vector.shape_cast %convert_element_type3A_266 : vector<256x64xbf16> to vector<1x256x64xbf16>
    tpu.vector_store %arg4[%swap3A_267, %swap3A_268, %swap3A_269], %swap3A_272 {strides = array<i32>} : memref<1x2048x64xbf16, #tpu.memory_space<vmem>>, vector<1x256x64xbf16>,
    %get3A_273 = arith.constant 0 : index
    %get3A_274 = arith.constant 1024 : index
    %get3A_275 = arith.constant 0 : index
    %get3A_276 = vector.load %arg1[%get3A_273, %get3A_274, %get3A_275] : memref<1x2048x64xbf16, #tpu.memory_space<vmem>>, vector<1x256x64xbf16>
    %get3A_277 = vector.shape_cast %get3A_276 : vector<1x256x64xbf16> to vector<256x64xbf16>
    %broadcast_in_dim3A_278 = arith.constant 0.000000e+00 : f32
    %broadcast_in_dim3A_279 = vector.broadcast %broadcast_in_dim3A_278 : f32 to vector<256x65xf32>
    %get3A_280 = arith.constant 0 : index
    %get3A_281 = arith.constant 0 : index
    %get3A_282 = arith.constant 0 : index
    %get3A_283 = vector.load %arg2[%get3A_280, %get3A_281, %get3A_282] : memref<1x2048x64xbf16, #tpu.memory_space<vmem>>, vector<1x256x64xbf16>
    %get3A_284 = vector.shape_cast %get3A_283 : vector<1x256x64xbf16> to vector<256x64xbf16>
    %dot_general3A_285 = arith.constant dense<0.000000e+00> : vector<256x256xf32>
    %dot_general3A_286 = tpu.matmul %get3A_277, %get3A_284, %dot_general3A_285 {dimension_numbers = #tpu.dot_dimension_numbers<[1], [1], [0], [0], [0, 0, 1, 0], [], []>, transpose_lhs_hint = false} : vector<256x64xbf16>, vector<256x64xbf16>, vector<256x256xf32> -> vector<256x256xf32>
    %min3A_287 = arith.constant 6.000000e+01 : f32
    %min3A_288 = vector.broadcast %min3A_287 : f32 to vector<256x256xf32>
    %min3A_289 = arith.minimumf %dot_general3A_286, %min3A_288 : vector<256x256xf32>
    %exp3A_290 = math.exp %min3A_289 : vector<256x256xf32>
    %get3A_291 = arith.constant 0 : index
    %get3A_292 = arith.constant 0 : index
    %get3A_293 = arith.constant 0 : index
    %get3A_294 = vector.load %arg3[%get3A_291, %get3A_292, %get3A_293] : memref<1x2048x65xbf16, #tpu.memory_space<vmem>>, vector<1x256x65xbf16>
    %get3A_295 = vector.shape_cast %get3A_294 : vector<1x256x65xbf16> to vector<256x65xbf16>
    %convert_element_type3A_296 = arith.truncf %exp3A_290 : vector<256x256xf32> to vector<256x256xbf16>
    %dot_general3A_297 = arith.constant dense<0.000000e+00> : vector<256x65xf32>
    %dot_general3A_298 = tpu.matmul %convert_element_type3A_296, %get3A_295, %dot_general3A_297 {dimension_numbers = #tpu.dot_dimension_numbers<[1], [0], [0], [1], [0, 0, 1, 1], [], []>, transpose_lhs_hint = false} : vector<256x256xbf16>, vector<256x65xbf16>, vector<256x65xf32> -> vector<256x65xf32>
    %add3A_299 = arith.addf %broadcast_in_dim3A_279, %dot_general3A_298 : vector<256x65xf32>
    %get3A_300 = arith.constant 0 : index
    %get3A_301 = arith.constant 256 : index
    %get3A_302 = arith.constant 0 : index
    %get3A_303 = vector.load %arg2[%get3A_300, %get3A_301, %get3A_302] : memref<1x2048x64xbf16, #tpu.memory_space<vmem>>, vector<1x256x64xbf16>
    %get3A_304 = vector.shape_cast %get3A_303 : vector<1x256x64xbf16> to vector<256x64xbf16>
    %dot_general3A_305 = arith.constant dense<0.000000e+00> : vector<256x256xf32>
    %dot_general3A_306 = tpu.matmul %get3A_277, %get3A_304, %dot_general3A_305 {dimension_numbers = #tpu.dot_dimension_numbers<[1], [1], [0], [0], [0, 0, 1, 0], [], []>, transpose_lhs_hint = false} : vector<256x64xbf16>, vector<256x64xbf16>, vector<256x256xf32> -> vector<256x256xf32>
    %min3A_307 = arith.constant 6.000000e+01 : f32
    %min3A_308 = vector.broadcast %min3A_307 : f32 to vector<256x256xf32>
    %min3A_309 = arith.minimumf %dot_general3A_306, %min3A_308 : vector<256x256xf32>
    %exp3A_310 = math.exp %min3A_309 : vector<256x256xf32>
    %get3A_311 = arith.constant 0 : index
    %get3A_312 = arith.constant 256 : index
    %get3A_313 = arith.constant 0 : index
    %get3A_314 = vector.load %arg3[%get3A_311, %get3A_312, %get3A_313] : memref<1x2048x65xbf16, #tpu.memory_space<vmem>>, vector<1x256x65xbf16>
    %get3A_315 = vector.shape_cast %get3A_314 : vector<1x256x65xbf16> to vector<256x65xbf16>
    %convert_element_type3A_316 = arith.truncf %exp3A_310 : vector<256x256xf32> to vector<256x256xbf16>
    %dot_general3A_317 = arith.constant dense<0.000000e+00> : vector<256x65xf32>
    %dot_general3A_318 = tpu.matmul %convert_element_type3A_316, %get3A_315, %dot_general3A_317 {dimension_numbers = #tpu.dot_dimension_numbers<[1], [0], [0], [1], [0, 0, 1, 1], [], []>, transpose_lhs_hint = false} : vector<256x256xbf16>, vector<256x65xbf16>, vector<256x65xf32> -> vector<256x65xf32>
    %add3A_319 = arith.addf %add3A_299, %dot_general3A_318 : vector<256x65xf32>
    %get3A_320 = arith.constant 0 : index
    %get3A_321 = arith.constant 512 : index
    %get3A_322 = arith.constant 0 : index
    %get3A_323 = vector.load %arg2[%get3A_320, %get3A_321, %get3A_322] : memref<1x2048x64xbf16, #tpu.memory_space<vmem>>, vector<1x256x64xbf16>
    %get3A_324 = vector.shape_cast %get3A_323 : vector<1x256x64xbf16> to vector<256x64xbf16>
    %dot_general3A_325 = arith.constant dense<0.000000e+00> : vector<256x256xf32>
    %dot_general3A_326 = tpu.matmul %get3A_277, %get3A_324, %dot_general3A_325 {dimension_numbers = #tpu.dot_dimension_numbers<[1], [1], [0], [0], [0, 0, 1, 0], [], []>, transpose_lhs_hint = false} : vector<256x64xbf16>, vector<256x64xbf16>, vector<256x256xf32> -> vector<256x256xf32>
    %min3A_327 = arith.constant 6.000000e+01 : f32
    %min3A_328 = vector.broadcast %min3A_327 : f32 to vector<256x256xf32>
    %min3A_329 = arith.minimumf %dot_general3A_326, %min3A_328 : vector<256x256xf32>
    %exp3A_330 = math.exp %min3A_329 : vector<256x256xf32>
    %get3A_331 = arith.constant 0 : index
    %get3A_332 = arith.constant 512 : index
    %get3A_333 = arith.constant 0 : index
    %get3A_334 = vector.load %arg3[%get3A_331, %get3A_332, %get3A_333] : memref<1x2048x65xbf16, #tpu.memory_space<vmem>>, vector<1x256x65xbf16>
    %get3A_335 = vector.shape_cast %get3A_334 : vector<1x256x65xbf16> to vector<256x65xbf16>
    %convert_element_type3A_336 = arith.truncf %exp3A_330 : vector<256x256xf32> to vector<256x256xbf16>
    %dot_general3A_337 = arith.constant dense<0.000000e+00> : vector<256x65xf32>
    %dot_general3A_338 = tpu.matmul %convert_element_type3A_336, %get3A_335, %dot_general3A_337 {dimension_numbers = #tpu.dot_dimension_numbers<[1], [0], [0], [1], [0, 0, 1, 1], [], []>, transpose_lhs_hint = false} : vector<256x256xbf16>, vector<256x65xbf16>, vector<256x65xf32> -> vector<256x65xf32>
    %add3A_339 = arith.addf %add3A_319, %dot_general3A_338 : vector<256x65xf32>
    %get3A_340 = arith.constant 0 : index
    %get3A_341 = arith.constant 768 : index
    %get3A_342 = arith.constant 0 : index
    %get3A_343 = vector.load %arg2[%get3A_340, %get3A_341, %get3A_342] : memref<1x2048x64xbf16, #tpu.memory_space<vmem>>, vector<1x256x64xbf16>
    %get3A_344 = vector.shape_cast %get3A_343 : vector<1x256x64xbf16> to vector<256x64xbf16>
    %dot_general3A_345 = arith.constant dense<0.000000e+00> : vector<256x256xf32>
    %dot_general3A_346 = tpu.matmul %get3A_277, %get3A_344, %dot_general3A_345 {dimension_numbers = #tpu.dot_dimension_numbers<[1], [1], [0], [0], [0, 0, 1, 0], [], []>, transpose_lhs_hint = false} : vector<256x64xbf16>, vector<256x64xbf16>, vector<256x256xf32> -> vector<256x256xf32>
    %min3A_347 = arith.constant 6.000000e+01 : f32
    %min3A_348 = vector.broadcast %min3A_347 : f32 to vector<256x256xf32>
    %min3A_349 = arith.minimumf %dot_general3A_346, %min3A_348 : vector<256x256xf32>
    %exp3A_350 = math.exp %min3A_349 : vector<256x256xf32>
    %get3A_351 = arith.constant 0 : index
    %get3A_352 = arith.constant 768 : index
    %get3A_353 = arith.constant 0 : index
    %get3A_354 = vector.load %arg3[%get3A_351, %get3A_352, %get3A_353] : memref<1x2048x65xbf16, #tpu.memory_space<vmem>>, vector<1x256x65xbf16>
    %get3A_355 = vector.shape_cast %get3A_354 : vector<1x256x65xbf16> to vector<256x65xbf16>
    %convert_element_type3A_356 = arith.truncf %exp3A_350 : vector<256x256xf32> to vector<256x256xbf16>
    %dot_general3A_357 = arith.constant dense<0.000000e+00> : vector<256x65xf32>
    %dot_general3A_358 = tpu.matmul %convert_element_type3A_356, %get3A_355, %dot_general3A_357 {dimension_numbers = #tpu.dot_dimension_numbers<[1], [0], [0], [1], [0, 0, 1, 1], [], []>, transpose_lhs_hint = false} : vector<256x256xbf16>, vector<256x65xbf16>, vector<256x65xf32> -> vector<256x65xf32>
    %add3A_359 = arith.addf %add3A_339, %dot_general3A_358 : vector<256x65xf32>
    %get3A_360 = arith.constant 0 : index
    %get3A_361 = arith.constant 1024 : index
    %get3A_362 = arith.constant 0 : index
    %get3A_363 = vector.load %arg2[%get3A_360, %get3A_361, %get3A_362] : memref<1x2048x64xbf16, #tpu.memory_space<vmem>>, vector<1x256x64xbf16>
    %get3A_364 = vector.shape_cast %get3A_363 : vector<1x256x64xbf16> to vector<256x64xbf16>
    %dot_general3A_365 = arith.constant dense<0.000000e+00> : vector<256x256xf32>
    %dot_general3A_366 = tpu.matmul %get3A_277, %get3A_364, %dot_general3A_365 {dimension_numbers = #tpu.dot_dimension_numbers<[1], [1], [0], [0], [0, 0, 1, 0], [], []>, transpose_lhs_hint = false} : vector<256x64xbf16>, vector<256x64xbf16>, vector<256x256xf32> -> vector<256x256xf32>
    %min3A_367 = arith.constant 6.000000e+01 : f32
    %min3A_368 = vector.broadcast %min3A_367 : f32 to vector<256x256xf32>
    %min3A_369 = arith.minimumf %dot_general3A_366, %min3A_368 : vector<256x256xf32>
    %exp3A_370 = math.exp %min3A_369 : vector<256x256xf32>
    %jit3A_371 = arith.constant 0.000000e+00 : f32
    %broadcast_in_dim3A_372 = vector.broadcast %jit3A_371 : f32 to vector<256x256xf32>
    %select_n3A_373 = arith.select %le3A, %exp3A_370, %broadcast_in_dim3A_372 : vector<256x256xi1>, vector<256x256xf32>
    %get3A_374 = arith.constant 0 : index
    %get3A_375 = arith.constant 1024 : index
    %get3A_376 = arith.constant 0 : index
    %get3A_377 = vector.load %arg3[%get3A_374, %get3A_375, %get3A_376] : memref<1x2048x65xbf16, #tpu.memory_space<vmem>>, vector<1x256x65xbf16>
    %get3A_378 = vector.shape_cast %get3A_377 : vector<1x256x65xbf16> to vector<256x65xbf16>
    %convert_element_type3A_379 = arith.truncf %select_n3A_373 : vector<256x256xf32> to vector<256x256xbf16>
    %dot_general3A_380 = arith.constant dense<0.000000e+00> : vector<256x65xf32>
    %dot_general3A_381 = tpu.matmul %convert_element_type3A_379, %get3A_378, %dot_general3A_380 {dimension_numbers = #tpu.dot_dimension_numbers<[1], [0], [0], [1], [0, 0, 1, 1], [], []>, transpose_lhs_hint = false} : vector<256x256xbf16>, vector<256x65xbf16>, vector<256x65xf32> -> vector<256x65xf32>
    %add3A_382 = arith.addf %add3A_359, %dot_general3A_381 : vector<256x65xf32>
    %slice3A_383 = vector.extract_strided_slice %add3A_382 {offsets = [0, 0], sizes = [256, 64], strides = [1, 1]} : vector<256x65xf32> to vector<256x64xf32>
    %slice3A_384 = vector.extract_strided_slice %add3A_382 {offsets = [0, 64], sizes = [256, 1], strides = [1, 1]} : vector<256x65xf32> to vector<256x1xf32>
    %div3A_385 = vector.broadcast %slice3A_384 : vector<256x1xf32> to vector<256x64xf32>
    %div3A_386 = arith.divf %slice3A_383, %div3A_385 : vector<256x64xf32>
    %convert_element_type3A_387 = arith.truncf %div3A_386 : vector<256x64xf32> to vector<256x64xbf16>
    %swap3A_388 = arith.constant 0 : index
    %swap3A_389 = arith.constant 1024 : index
    %swap3A_390 = arith.constant 0 : index
    %swap3A_391 = vector.load %arg4[%swap3A_388, %swap3A_389, %swap3A_390] : memref<1x2048x64xbf16, #tpu.memory_space<vmem>>, vector<1x256x64xbf16>
    %swap3A_392 = vector.shape_cast %swap3A_391 : vector<1x256x64xbf16> to vector<256x64xbf16>
    %swap3A_393 = vector.shape_cast %convert_element_type3A_387 : vector<256x64xbf16> to vector<1x256x64xbf16>
    tpu.vector_store %arg4[%swap3A_388, %swap3A_389, %swap3A_390], %swap3A_393 {strides = array<i32>} : memref<1x2048x64xbf16, #tpu.memory_space<vmem>>, vector<1x256x64xbf16>,
    %get3A_394 = arith.constant 0 : index
    %get3A_395 = arith.constant 1280 : index
    %get3A_396 = arith.constant 0 : index
    %get3A_397 = vector.load %arg1[%get3A_394, %get3A_395, %get3A_396] : memref<1x2048x64xbf16, #tpu.memory_space<vmem>>, vector<1x256x64xbf16>
    %get3A_398 = vector.shape_cast %get3A_397 : vector<1x256x64xbf16> to vector<256x64xbf16>
    %broadcast_in_dim3A_399 = arith.constant 0.000000e+00 : f32
    %broadcast_in_dim3A_400 = vector.broadcast %broadcast_in_dim3A_399 : f32 to vector<256x65xf32>
    %get3A_401 = arith.constant 0 : index
    %get3A_402 = arith.constant 0 : index
    %get3A_403 = arith.constant 0 : index
    %get3A_404 = vector.load %arg2[%get3A_401, %get3A_402, %get3A_403] : memref<1x2048x64xbf16, #tpu.memory_space<vmem>>, vector<1x256x64xbf16>
    %get3A_405 = vector.shape_cast %get3A_404 : vector<1x256x64xbf16> to vector<256x64xbf16>
    %dot_general3A_406 = arith.constant dense<0.000000e+00> : vector<256x256xf32>
    %dot_general3A_407 = tpu.matmul %get3A_398, %get3A_405, %dot_general3A_406 {dimension_numbers = #tpu.dot_dimension_numbers<[1], [1], [0], [0], [0, 0, 1, 0], [], []>, transpose_lhs_hint = false} : vector<256x64xbf16>, vector<256x64xbf16>, vector<256x256xf32> -> vector<256x256xf32>
    %min3A_408 = arith.constant 6.000000e+01 : f32
    %min3A_409 = vector.broadcast %min3A_408 : f32 to vector<256x256xf32>
    %min3A_410 = arith.minimumf %dot_general3A_407, %min3A_409 : vector<256x256xf32>
    %exp3A_411 = math.exp %min3A_410 : vector<256x256xf32>
    %get3A_412 = arith.constant 0 : index
    %get3A_413 = arith.constant 0 : index
    %get3A_414 = arith.constant 0 : index
    %get3A_415 = vector.load %arg3[%get3A_412, %get3A_413, %get3A_414] : memref<1x2048x65xbf16, #tpu.memory_space<vmem>>, vector<1x256x65xbf16>
    %get3A_416 = vector.shape_cast %get3A_415 : vector<1x256x65xbf16> to vector<256x65xbf16>
    %convert_element_type3A_417 = arith.truncf %exp3A_411 : vector<256x256xf32> to vector<256x256xbf16>
    %dot_general3A_418 = arith.constant dense<0.000000e+00> : vector<256x65xf32>
    %dot_general3A_419 = tpu.matmul %convert_element_type3A_417, %get3A_416, %dot_general3A_418 {dimension_numbers = #tpu.dot_dimension_numbers<[1], [0], [0], [1], [0, 0, 1, 1], [], []>, transpose_lhs_hint = false} : vector<256x256xbf16>, vector<256x65xbf16>, vector<256x65xf32> -> vector<256x65xf32>
    %add3A_420 = arith.addf %broadcast_in_dim3A_400, %dot_general3A_419 : vector<256x65xf32>
    %get3A_421 = arith.constant 0 : index
    %get3A_422 = arith.constant 256 : index
    %get3A_423 = arith.constant 0 : index
    %get3A_424 = vector.load %arg2[%get3A_421, %get3A_422, %get3A_423] : memref<1x2048x64xbf16, #tpu.memory_space<vmem>>, vector<1x256x64xbf16>
    %get3A_425 = vector.shape_cast %get3A_424 : vector<1x256x64xbf16> to vector<256x64xbf16>
    %dot_general3A_426 = arith.constant dense<0.000000e+00> : vector<256x256xf32>
    %dot_general3A_427 = tpu.matmul %get3A_398, %get3A_425, %dot_general3A_426 {dimension_numbers = #tpu.dot_dimension_numbers<[1], [1], [0], [0], [0, 0, 1, 0], [], []>, transpose_lhs_hint = false} : vector<256x64xbf16>, vector<256x64xbf16>, vector<256x256xf32> -> vector<256x256xf32>
    %min3A_428 = arith.constant 6.000000e+01 : f32
    %min3A_429 = vector.broadcast %min3A_428 : f32 to vector<256x256xf32>
    %min3A_430 = arith.minimumf %dot_general3A_427, %min3A_429 : vector<256x256xf32>
    %exp3A_431 = math.exp %min3A_430 : vector<256x256xf32>
    %get3A_432 = arith.constant 0 : index
    %get3A_433 = arith.constant 256 : index
    %get3A_434 = arith.constant 0 : index
    %get3A_435 = vector.load %arg3[%get3A_432, %get3A_433, %get3A_434] : memref<1x2048x65xbf16, #tpu.memory_space<vmem>>, vector<1x256x65xbf16>
    %get3A_436 = vector.shape_cast %get3A_435 : vector<1x256x65xbf16> to vector<256x65xbf16>
    %convert_element_type3A_437 = arith.truncf %exp3A_431 : vector<256x256xf32> to vector<256x256xbf16>
    %dot_general3A_438 = arith.constant dense<0.000000e+00> : vector<256x65xf32>
    %dot_general3A_439 = tpu.matmul %convert_element_type3A_437, %get3A_436, %dot_general3A_438 {dimension_numbers = #tpu.dot_dimension_numbers<[1], [0], [0], [1], [0, 0, 1, 1], [], []>, transpose_lhs_hint = false} : vector<256x256xbf16>, vector<256x65xbf16>, vector<256x65xf32> -> vector<256x65xf32>
    %add3A_440 = arith.addf %add3A_420, %dot_general3A_439 : vector<256x65xf32>
    %get3A_441 = arith.constant 0 : index
    %get3A_442 = arith.constant 512 : index
    %get3A_443 = arith.constant 0 : index
    %get3A_444 = vector.load %arg2[%get3A_441, %get3A_442, %get3A_443] : memref<1x2048x64xbf16, #tpu.memory_space<vmem>>, vector<1x256x64xbf16>
    %get3A_445 = vector.shape_cast %get3A_444 : vector<1x256x64xbf16> to vector<256x64xbf16>
    %dot_general3A_446 = arith.constant dense<0.000000e+00> : vector<256x256xf32>
    %dot_general3A_447 = tpu.matmul %get3A_398, %get3A_445, %dot_general3A_446 {dimension_numbers = #tpu.dot_dimension_numbers<[1], [1], [0], [0], [0, 0, 1, 0], [], []>, transpose_lhs_hint = false} : vector<256x64xbf16>, vector<256x64xbf16>, vector<256x256xf32> -> vector<256x256xf32>
    %min3A_448 = arith.constant 6.000000e+01 : f32
    %min3A_449 = vector.broadcast %min3A_448 : f32 to vector<256x256xf32>
    %min3A_450 = arith.minimumf %dot_general3A_447, %min3A_449 : vector<256x256xf32>
    %exp3A_451 = math.exp %min3A_450 : vector<256x256xf32>
    %get3A_452 = arith.constant 0 : index
    %get3A_453 = arith.constant 512 : index
    %get3A_454 = arith.constant 0 : index
    %get3A_455 = vector.load %arg3[%get3A_452, %get3A_453, %get3A_454] : memref<1x2048x65xbf16, #tpu.memory_space<vmem>>, vector<1x256x65xbf16>
    %get3A_456 = vector.shape_cast %get3A_455 : vector<1x256x65xbf16> to vector<256x65xbf16>
    %convert_element_type3A_457 = arith.truncf %exp3A_451 : vector<256x256xf32> to vector<256x256xbf16>
    %dot_general3A_458 = arith.constant dense<0.000000e+00> : vector<256x65xf32>
    %dot_general3A_459 = tpu.matmul %convert_element_type3A_457, %get3A_456, %dot_general3A_458 {dimension_numbers = #tpu.dot_dimension_numbers<[1], [0], [0], [1], [0, 0, 1, 1], [], []>, transpose_lhs_hint = false} : vector<256x256xbf16>, vector<256x65xbf16>, vector<256x65xf32> -> vector<256x65xf32>
    %add3A_460 = arith.addf %add3A_440, %dot_general3A_459 : vector<256x65xf32>
    %get3A_461 = arith.constant 0 : index
    %get3A_462 = arith.constant 768 : index
    %get3A_463 = arith.constant 0 : index
    %get3A_464 = vector.load %arg2[%get3A_461, %get3A_462, %get3A_463] : memref<1x2048x64xbf16, #tpu.memory_space<vmem>>, vector<1x256x64xbf16>
    %get3A_465 = vector.shape_cast %get3A_464 : vector<1x256x64xbf16> to vector<256x64xbf16>
    %dot_general3A_466 = arith.constant dense<0.000000e+00> : vector<256x256xf32>
    %dot_general3A_467 = tpu.matmul %get3A_398, %get3A_465, %dot_general3A_466 {dimension_numbers = #tpu.dot_dimension_numbers<[1], [1], [0], [0], [0, 0, 1, 0], [], []>, transpose_lhs_hint = false} : vector<256x64xbf16>, vector<256x64xbf16>, vector<256x256xf32> -> vector<256x256xf32>
    %min3A_468 = arith.constant 6.000000e+01 : f32
    %min3A_469 = vector.broadcast %min3A_468 : f32 to vector<256x256xf32>
    %min3A_470 = arith.minimumf %dot_general3A_467, %min3A_469 : vector<256x256xf32>
    %exp3A_471 = math.exp %min3A_470 : vector<256x256xf32>
    %get3A_472 = arith.constant 0 : index
    %get3A_473 = arith.constant 768 : index
    %get3A_474 = arith.constant 0 : index
    %get3A_475 = vector.load %arg3[%get3A_472, %get3A_473, %get3A_474] : memref<1x2048x65xbf16, #tpu.memory_space<vmem>>, vector<1x256x65xbf16>
    %get3A_476 = vector.shape_cast %get3A_475 : vector<1x256x65xbf16> to vector<256x65xbf16>
    %convert_element_type3A_477 = arith.truncf %exp3A_471 : vector<256x256xf32> to vector<256x256xbf16>
    %dot_general3A_478 = arith.constant dense<0.000000e+00> : vector<256x65xf32>
    %dot_general3A_479 = tpu.matmul %convert_element_type3A_477, %get3A_476, %dot_general3A_478 {dimension_numbers = #tpu.dot_dimension_numbers<[1], [0], [0], [1], [0, 0, 1, 1], [], []>, transpose_lhs_hint = false} : vector<256x256xbf16>, vector<256x65xbf16>, vector<256x65xf32> -> vector<256x65xf32>
    %add3A_480 = arith.addf %add3A_460, %dot_general3A_479 : vector<256x65xf32>
    %get3A_481 = arith.constant 0 : index
    %get3A_482 = arith.constant 1024 : index
    %get3A_483 = arith.constant 0 : index
    %get3A_484 = vector.load %arg2[%get3A_481, %get3A_482, %get3A_483] : memref<1x2048x64xbf16, #tpu.memory_space<vmem>>, vector<1x256x64xbf16>
    %get3A_485 = vector.shape_cast %get3A_484 : vector<1x256x64xbf16> to vector<256x64xbf16>
    %dot_general3A_486 = arith.constant dense<0.000000e+00> : vector<256x256xf32>
    %dot_general3A_487 = tpu.matmul %get3A_398, %get3A_485, %dot_general3A_486 {dimension_numbers = #tpu.dot_dimension_numbers<[1], [1], [0], [0], [0, 0, 1, 0], [], []>, transpose_lhs_hint = false} : vector<256x64xbf16>, vector<256x64xbf16>, vector<256x256xf32> -> vector<256x256xf32>
    %min3A_488 = arith.constant 6.000000e+01 : f32
    %min3A_489 = vector.broadcast %min3A_488 : f32 to vector<256x256xf32>
    %min3A_490 = arith.minimumf %dot_general3A_487, %min3A_489 : vector<256x256xf32>
    %exp3A_491 = math.exp %min3A_490 : vector<256x256xf32>
    %get3A_492 = arith.constant 0 : index
    %get3A_493 = arith.constant 1024 : index
    %get3A_494 = arith.constant 0 : index
    %get3A_495 = vector.load %arg3[%get3A_492, %get3A_493, %get3A_494] : memref<1x2048x65xbf16, #tpu.memory_space<vmem>>, vector<1x256x65xbf16>
    %get3A_496 = vector.shape_cast %get3A_495 : vector<1x256x65xbf16> to vector<256x65xbf16>
    %convert_element_type3A_497 = arith.truncf %exp3A_491 : vector<256x256xf32> to vector<256x256xbf16>
    %dot_general3A_498 = arith.constant dense<0.000000e+00> : vector<256x65xf32>
    %dot_general3A_499 = tpu.matmul %convert_element_type3A_497, %get3A_496, %dot_general3A_498 {dimension_numbers = #tpu.dot_dimension_numbers<[1], [0], [0], [1], [0, 0, 1, 1], [], []>, transpose_lhs_hint = false} : vector<256x256xbf16>, vector<256x65xbf16>, vector<256x65xf32> -> vector<256x65xf32>
    %add3A_500 = arith.addf %add3A_480, %dot_general3A_499 : vector<256x65xf32>
    %get3A_501 = arith.constant 0 : index
    %get3A_502 = arith.constant 1280 : index
    %get3A_503 = arith.constant 0 : index
    %get3A_504 = vector.load %arg2[%get3A_501, %get3A_502, %get3A_503] : memref<1x2048x64xbf16, #tpu.memory_space<vmem>>, vector<1x256x64xbf16>
    %get3A_505 = vector.shape_cast %get3A_504 : vector<1x256x64xbf16> to vector<256x64xbf16>
    %dot_general3A_506 = arith.constant dense<0.000000e+00> : vector<256x256xf32>
    %dot_general3A_507 = tpu.matmul %get3A_398, %get3A_505, %dot_general3A_506 {dimension_numbers = #tpu.dot_dimension_numbers<[1], [1], [0], [0], [0, 0, 1, 0], [], []>, transpose_lhs_hint = false} : vector<256x64xbf16>, vector<256x64xbf16>, vector<256x256xf32> -> vector<256x256xf32>
    %min3A_508 = arith.constant 6.000000e+01 : f32
    %min3A_509 = vector.broadcast %min3A_508 : f32 to vector<256x256xf32>
    %min3A_510 = arith.minimumf %dot_general3A_507, %min3A_509 : vector<256x256xf32>
    %exp3A_511 = math.exp %min3A_510 : vector<256x256xf32>
    %jit3A_512 = arith.constant 0.000000e+00 : f32
    %broadcast_in_dim3A_513 = vector.broadcast %jit3A_512 : f32 to vector<256x256xf32>
    %select_n3A_514 = arith.select %le3A, %exp3A_511, %broadcast_in_dim3A_513 : vector<256x256xi1>, vector<256x256xf32>
    %get3A_515 = arith.constant 0 : index
    %get3A_516 = arith.constant 1280 : index
    %get3A_517 = arith.constant 0 : index
    %get3A_518 = vector.load %arg3[%get3A_515, %get3A_516, %get3A_517] : memref<1x2048x65xbf16, #tpu.memory_space<vmem>>, vector<1x256x65xbf16>
    %get3A_519 = vector.shape_cast %get3A_518 : vector<1x256x65xbf16> to vector<256x65xbf16>
    %convert_element_type3A_520 = arith.truncf %select_n3A_514 : vector<256x256xf32> to vector<256x256xbf16>
    %dot_general3A_521 = arith.constant dense<0.000000e+00> : vector<256x65xf32>
    %dot_general3A_522 = tpu.matmul %convert_element_type3A_520, %get3A_519, %dot_general3A_521 {dimension_numbers = #tpu.dot_dimension_numbers<[1], [0], [0], [1], [0, 0, 1, 1], [], []>, transpose_lhs_hint = false} : vector<256x256xbf16>, vector<256x65xbf16>, vector<256x65xf32> -> vector<256x65xf32>
    %add3A_523 = arith.addf %add3A_500, %dot_general3A_522 : vector<256x65xf32>
    %slice3A_524 = vector.extract_strided_slice %add3A_523 {offsets = [0, 0], sizes = [256, 64], strides = [1, 1]} : vector<256x65xf32> to vector<256x64xf32>
    %slice3A_525 = vector.extract_strided_slice %add3A_523 {offsets = [0, 64], sizes = [256, 1], strides = [1, 1]} : vector<256x65xf32> to vector<256x1xf32>
    %div3A_526 = vector.broadcast %slice3A_525 : vector<256x1xf32> to vector<256x64xf32>
    %div3A_527 = arith.divf %slice3A_524, %div3A_526 : vector<256x64xf32>
    %convert_element_type3A_528 = arith.truncf %div3A_527 : vector<256x64xf32> to vector<256x64xbf16>
    %swap3A_529 = arith.constant 0 : index
    %swap3A_530 = arith.constant 1280 : index
    %swap3A_531 = arith.constant 0 : index
    %swap3A_532 = vector.load %arg4[%swap3A_529, %swap3A_530, %swap3A_531] : memref<1x2048x64xbf16, #tpu.memory_space<vmem>>, vector<1x256x64xbf16>
    %swap3A_533 = vector.shape_cast %swap3A_532 : vector<1x256x64xbf16> to vector<256x64xbf16>
    %swap3A_534 = vector.shape_cast %convert_element_type3A_528 : vector<256x64xbf16> to vector<1x256x64xbf16>
    tpu.vector_store %arg4[%swap3A_529, %swap3A_530, %swap3A_531], %swap3A_534 {strides = array<i32>} : memref<1x2048x64xbf16, #tpu.memory_space<vmem>>, vector<1x256x64xbf16>,
    %get3A_535 = arith.constant 0 : index
    %get3A_536 = arith.constant 1536 : index
    %get3A_537 = arith.constant 0 : index
    %get3A_538 = vector.load %arg1[%get3A_535, %get3A_536, %get3A_537] : memref<1x2048x64xbf16, #tpu.memory_space<vmem>>, vector<1x256x64xbf16>
    %get3A_539 = vector.shape_cast %get3A_538 : vector<1x256x64xbf16> to vector<256x64xbf16>
    %broadcast_in_dim3A_540 = arith.constant 0.000000e+00 : f32
    %broadcast_in_dim3A_541 = vector.broadcast %broadcast_in_dim3A_540 : f32 to vector<256x65xf32>
    %get3A_542 = arith.constant 0 : index
    %get3A_543 = arith.constant 0 : index
    %get3A_544 = arith.constant 0 : index
    %get3A_545 = vector.load %arg2[%get3A_542, %get3A_543, %get3A_544] : memref<1x2048x64xbf16, #tpu.memory_space<vmem>>, vector<1x256x64xbf16>
    %get3A_546 = vector.shape_cast %get3A_545 : vector<1x256x64xbf16> to vector<256x64xbf16>
    %dot_general3A_547 = arith.constant dense<0.000000e+00> : vector<256x256xf32>
    %dot_general3A_548 = tpu.matmul %get3A_539, %get3A_546, %dot_general3A_547 {dimension_numbers = #tpu.dot_dimension_numbers<[1], [1], [0], [0], [0, 0, 1, 0], [], []>, transpose_lhs_hint = false} : vector<256x64xbf16>, vector<256x64xbf16>, vector<256x256xf32> -> vector<256x256xf32>
    %min3A_549 = arith.constant 6.000000e+01 : f32
    %min3A_550 = vector.broadcast %min3A_549 : f32 to vector<256x256xf32>
    %min3A_551 = arith.minimumf %dot_general3A_548, %min3A_550 : vector<256x256xf32>
    %exp3A_552 = math.exp %min3A_551 : vector<256x256xf32>
    %get3A_553 = arith.constant 0 : index
    %get3A_554 = arith.constant 0 : index
    %get3A_555 = arith.constant 0 : index
    %get3A_556 = vector.load %arg3[%get3A_553, %get3A_554, %get3A_555] : memref<1x2048x65xbf16, #tpu.memory_space<vmem>>, vector<1x256x65xbf16>
    %get3A_557 = vector.shape_cast %get3A_556 : vector<1x256x65xbf16> to vector<256x65xbf16>
    %convert_element_type3A_558 = arith.truncf %exp3A_552 : vector<256x256xf32> to vector<256x256xbf16>
    %dot_general3A_559 = arith.constant dense<0.000000e+00> : vector<256x65xf32>
    %dot_general3A_560 = tpu.matmul %convert_element_type3A_558, %get3A_557, %dot_general3A_559 {dimension_numbers = #tpu.dot_dimension_numbers<[1], [0], [0], [1], [0, 0, 1, 1], [], []>, transpose_lhs_hint = false} : vector<256x256xbf16>, vector<256x65xbf16>, vector<256x65xf32> -> vector<256x65xf32>
    %add3A_561 = arith.addf %broadcast_in_dim3A_541, %dot_general3A_560 : vector<256x65xf32>
    %get3A_562 = arith.constant 0 : index
    %get3A_563 = arith.constant 256 : index
    %get3A_564 = arith.constant 0 : index
    %get3A_565 = vector.load %arg2[%get3A_562, %get3A_563, %get3A_564] : memref<1x2048x64xbf16, #tpu.memory_space<vmem>>, vector<1x256x64xbf16>
    %get3A_566 = vector.shape_cast %get3A_565 : vector<1x256x64xbf16> to vector<256x64xbf16>
    %dot_general3A_567 = arith.constant dense<0.000000e+00> : vector<256x256xf32>
    %dot_general3A_568 = tpu.matmul %get3A_539, %get3A_566, %dot_general3A_567 {dimension_numbers = #tpu.dot_dimension_numbers<[1], [1], [0], [0], [0, 0, 1, 0], [], []>, transpose_lhs_hint = false} : vector<256x64xbf16>, vector<256x64xbf16>, vector<256x256xf32> -> vector<256x256xf32>
    %min3A_569 = arith.constant 6.000000e+01 : f32
    %min3A_570 = vector.broadcast %min3A_569 : f32 to vector<256x256xf32>
    %min3A_571 = arith.minimumf %dot_general3A_568, %min3A_570 : vector<256x256xf32>
    %exp3A_572 = math.exp %min3A_571 : vector<256x256xf32>
    %get3A_573 = arith.constant 0 : index
    %get3A_574 = arith.constant 256 : index
    %get3A_575 = arith.constant 0 : index
    %get3A_576 = vector.load %arg3[%get3A_573, %get3A_574, %get3A_575] : memref<1x2048x65xbf16, #tpu.memory_space<vmem>>, vector<1x256x65xbf16>
    %get3A_577 = vector.shape_cast %get3A_576 : vector<1x256x65xbf16> to vector<256x65xbf16>
    %convert_element_type3A_578 = arith.truncf %exp3A_572 : vector<256x256xf32> to vector<256x256xbf16>
    %dot_general3A_579 = arith.constant dense<0.000000e+00> : vector<256x65xf32>
    %dot_general3A_580 = tpu.matmul %convert_element_type3A_578, %get3A_577, %dot_general3A_579 {dimension_numbers = #tpu.dot_dimension_numbers<[1], [0], [0], [1], [0, 0, 1, 1], [], []>, transpose_lhs_hint = false} : vector<256x256xbf16>, vector<256x65xbf16>, vector<256x65xf32> -> vector<256x65xf32>
    %add3A_581 = arith.addf %add3A_561, %dot_general3A_580 : vector<256x65xf32>
    %get3A_582 = arith.constant 0 : index
    %get3A_583 = arith.constant 512 : index
    %get3A_584 = arith.constant 0 : index
    %get3A_585 = vector.load %arg2[%get3A_582, %get3A_583, %get3A_584] : memref<1x2048x64xbf16, #tpu.memory_space<vmem>>, vector<1x256x64xbf16>
    %get3A_586 = vector.shape_cast %get3A_585 : vector<1x256x64xbf16> to vector<256x64xbf16>
    %dot_general3A_587 = arith.constant dense<0.000000e+00> : vector<256x256xf32>
    %dot_general3A_588 = tpu.matmul %get3A_539, %get3A_586, %dot_general3A_587 {dimension_numbers = #tpu.dot_dimension_numbers<[1], [1], [0], [0], [0, 0, 1, 0], [], []>, transpose_lhs_hint = false} : vector<256x64xbf16>, vector<256x64xbf16>, vector<256x256xf32> -> vector<256x256xf32>
    %min3A_589 = arith.constant 6.000000e+01 : f32
    %min3A_590 = vector.broadcast %min3A_589 : f32 to vector<256x256xf32>
    %min3A_591 = arith.minimumf %dot_general3A_588, %min3A_590 : vector<256x256xf32>
    %exp3A_592 = math.exp %min3A_591 : vector<256x256xf32>
    %get3A_593 = arith.constant 0 : index
    %get3A_594 = arith.constant 512 : index
    %get3A_595 = arith.constant 0 : index
    %get3A_596 = vector.load %arg3[%get3A_593, %get3A_594, %get3A_595] : memref<1x2048x65xbf16, #tpu.memory_space<vmem>>, vector<1x256x65xbf16>
    %get3A_597 = vector.shape_cast %get3A_596 : vector<1x256x65xbf16> to vector<256x65xbf16>
    %convert_element_type3A_598 = arith.truncf %exp3A_592 : vector<256x256xf32> to vector<256x256xbf16>
    %dot_general3A_599 = arith.constant dense<0.000000e+00> : vector<256x65xf32>
    %dot_general3A_600 = tpu.matmul %convert_element_type3A_598, %get3A_597, %dot_general3A_599 {dimension_numbers = #tpu.dot_dimension_numbers<[1], [0], [0], [1], [0, 0, 1, 1], [], []>, transpose_lhs_hint = false} : vector<256x256xbf16>, vector<256x65xbf16>, vector<256x65xf32> -> vector<256x65xf32>
    %add3A_601 = arith.addf %add3A_581, %dot_general3A_600 : vector<256x65xf32>
    %get3A_602 = arith.constant 0 : index
    %get3A_603 = arith.constant 768 : index
    %get3A_604 = arith.constant 0 : index
    %get3A_605 = vector.load %arg2[%get3A_602, %get3A_603, %get3A_604] : memref<1x2048x64xbf16, #tpu.memory_space<vmem>>, vector<1x256x64xbf16>
    %get3A_606 = vector.shape_cast %get3A_605 : vector<1x256x64xbf16> to vector<256x64xbf16>
    %dot_general3A_607 = arith.constant dense<0.000000e+00> : vector<256x256xf32>
    %dot_general3A_608 = tpu.matmul %get3A_539, %get3A_606, %dot_general3A_607 {dimension_numbers = #tpu.dot_dimension_numbers<[1], [1], [0], [0], [0, 0, 1, 0], [], []>, transpose_lhs_hint = false} : vector<256x64xbf16>, vector<256x64xbf16>, vector<256x256xf32> -> vector<256x256xf32>
    %min3A_609 = arith.constant 6.000000e+01 : f32
    %min3A_610 = vector.broadcast %min3A_609 : f32 to vector<256x256xf32>
    %min3A_611 = arith.minimumf %dot_general3A_608, %min3A_610 : vector<256x256xf32>
    %exp3A_612 = math.exp %min3A_611 : vector<256x256xf32>
    %get3A_613 = arith.constant 0 : index
    %get3A_614 = arith.constant 768 : index
    %get3A_615 = arith.constant 0 : index
    %get3A_616 = vector.load %arg3[%get3A_613, %get3A_614, %get3A_615] : memref<1x2048x65xbf16, #tpu.memory_space<vmem>>, vector<1x256x65xbf16>
    %get3A_617 = vector.shape_cast %get3A_616 : vector<1x256x65xbf16> to vector<256x65xbf16>
    %convert_element_type3A_618 = arith.truncf %exp3A_612 : vector<256x256xf32> to vector<256x256xbf16>
    %dot_general3A_619 = arith.constant dense<0.000000e+00> : vector<256x65xf32>
    %dot_general3A_620 = tpu.matmul %convert_element_type3A_618, %get3A_617, %dot_general3A_619 {dimension_numbers = #tpu.dot_dimension_numbers<[1], [0], [0], [1], [0, 0, 1, 1], [], []>, transpose_lhs_hint = false} : vector<256x256xbf16>, vector<256x65xbf16>, vector<256x65xf32> -> vector<256x65xf32>
    %add3A_621 = arith.addf %add3A_601, %dot_general3A_620 : vector<256x65xf32>
    %get3A_622 = arith.constant 0 : index
    %get3A_623 = arith.constant 1024 : index
    %get3A_624 = arith.constant 0 : index
    %get3A_625 = vector.load %arg2[%get3A_622, %get3A_623, %get3A_624] : memref<1x2048x64xbf16, #tpu.memory_space<vmem>>, vector<1x256x64xbf16>
    %get3A_626 = vector.shape_cast %get3A_625 : vector<1x256x64xbf16> to vector<256x64xbf16>
    %dot_general3A_627 = arith.constant dense<0.000000e+00> : vector<256x256xf32>
    %dot_general3A_628 = tpu.matmul %get3A_539, %get3A_626, %dot_general3A_627 {dimension_numbers = #tpu.dot_dimension_numbers<[1], [1], [0], [0], [0, 0, 1, 0], [], []>, transpose_lhs_hint = false} : vector<256x64xbf16>, vector<256x64xbf16>, vector<256x256xf32> -> vector<256x256xf32>
    %min3A_629 = arith.constant 6.000000e+01 : f32
    %min3A_630 = vector.broadcast %min3A_629 : f32 to vector<256x256xf32>
    %min3A_631 = arith.minimumf %dot_general3A_628, %min3A_630 : vector<256x256xf32>
    %exp3A_632 = math.exp %min3A_631 : vector<256x256xf32>
    %get3A_633 = arith.constant 0 : index
    %get3A_634 = arith.constant 1024 : index
    %get3A_635 = arith.constant 0 : index
    %get3A_636 = vector.load %arg3[%get3A_633, %get3A_634, %get3A_635] : memref<1x2048x65xbf16, #tpu.memory_space<vmem>>, vector<1x256x65xbf16>
    %get3A_637 = vector.shape_cast %get3A_636 : vector<1x256x65xbf16> to vector<256x65xbf16>
    %convert_element_type3A_638 = arith.truncf %exp3A_632 : vector<256x256xf32> to vector<256x256xbf16>
    %dot_general3A_639 = arith.constant dense<0.000000e+00> : vector<256x65xf32>
    %dot_general3A_640 = tpu.matmul %convert_element_type3A_638, %get3A_637, %dot_general3A_639 {dimension_numbers = #tpu.dot_dimension_numbers<[1], [0], [0], [1], [0, 0, 1, 1], [], []>, transpose_lhs_hint = false} : vector<256x256xbf16>, vector<256x65xbf16>, vector<256x65xf32> -> vector<256x65xf32>
    %add3A_641 = arith.addf %add3A_621, %dot_general3A_640 : vector<256x65xf32>
    %get3A_642 = arith.constant 0 : index
    %get3A_643 = arith.constant 1280 : index
    %get3A_644 = arith.constant 0 : index
    %get3A_645 = vector.load %arg2[%get3A_642, %get3A_643, %get3A_644] : memref<1x2048x64xbf16, #tpu.memory_space<vmem>>, vector<1x256x64xbf16>
    %get3A_646 = vector.shape_cast %get3A_645 : vector<1x256x64xbf16> to vector<256x64xbf16>
    %dot_general3A_647 = arith.constant dense<0.000000e+00> : vector<256x256xf32>
    %dot_general3A_648 = tpu.matmul %get3A_539, %get3A_646, %dot_general3A_647 {dimension_numbers = #tpu.dot_dimension_numbers<[1], [1], [0], [0], [0, 0, 1, 0], [], []>, transpose_lhs_hint = false} : vector<256x64xbf16>, vector<256x64xbf16>, vector<256x256xf32> -> vector<256x256xf32>
    %min3A_649 = arith.constant 6.000000e+01 : f32
    %min3A_650 = vector.broadcast %min3A_649 : f32 to vector<256x256xf32>
    %min3A_651 = arith.minimumf %dot_general3A_648, %min3A_650 : vector<256x256xf32>
    %exp3A_652 = math.exp %min3A_651 : vector<256x256xf32>
    %get3A_653 = arith.constant 0 : index
    %get3A_654 = arith.constant 1280 : index
    %get3A_655 = arith.constant 0 : index
    %get3A_656 = vector.load %arg3[%get3A_653, %get3A_654, %get3A_655] : memref<1x2048x65xbf16, #tpu.memory_space<vmem>>, vector<1x256x65xbf16>
    %get3A_657 = vector.shape_cast %get3A_656 : vector<1x256x65xbf16> to vector<256x65xbf16>
    %convert_element_type3A_658 = arith.truncf %exp3A_652 : vector<256x256xf32> to vector<256x256xbf16>
    %dot_general3A_659 = arith.constant dense<0.000000e+00> : vector<256x65xf32>
    %dot_general3A_660 = tpu.matmul %convert_element_type3A_658, %get3A_657, %dot_general3A_659 {dimension_numbers = #tpu.dot_dimension_numbers<[1], [0], [0], [1], [0, 0, 1, 1], [], []>, transpose_lhs_hint = false} : vector<256x256xbf16>, vector<256x65xbf16>, vector<256x65xf32> -> vector<256x65xf32>
    %add3A_661 = arith.addf %add3A_641, %dot_general3A_660 : vector<256x65xf32>
    %get3A_662 = arith.constant 0 : index
    %get3A_663 = arith.constant 1536 : index
    %get3A_664 = arith.constant 0 : index
    %get3A_665 = vector.load %arg2[%get3A_662, %get3A_663, %get3A_664] : memref<1x2048x64xbf16, #tpu.memory_space<vmem>>, vector<1x256x64xbf16>
    %get3A_666 = vector.shape_cast %get3A_665 : vector<1x256x64xbf16> to vector<256x64xbf16>
    %dot_general3A_667 = arith.constant dense<0.000000e+00> : vector<256x256xf32>
    %dot_general3A_668 = tpu.matmul %get3A_539, %get3A_666, %dot_general3A_667 {dimension_numbers = #tpu.dot_dimension_numbers<[1], [1], [0], [0], [0, 0, 1, 0], [], []>, transpose_lhs_hint = false} : vector<256x64xbf16>, vector<256x64xbf16>, vector<256x256xf32> -> vector<256x256xf32>
    %min3A_669 = arith.constant 6.000000e+01 : f32
    %min3A_670 = vector.broadcast %min3A_669 : f32 to vector<256x256xf32>
    %min3A_671 = arith.minimumf %dot_general3A_668, %min3A_670 : vector<256x256xf32>
    %exp3A_672 = math.exp %min3A_671 : vector<256x256xf32>
    %jit3A_673 = arith.constant 0.000000e+00 : f32
    %broadcast_in_dim3A_674 = vector.broadcast %jit3A_673 : f32 to vector<256x256xf32>
    %select_n3A_675 = arith.select %le3A, %exp3A_672, %broadcast_in_dim3A_674 : vector<256x256xi1>, vector<256x256xf32>
    %get3A_676 = arith.constant 0 : index
    %get3A_677 = arith.constant 1536 : index
    %get3A_678 = arith.constant 0 : index
    %get3A_679 = vector.load %arg3[%get3A_676, %get3A_677, %get3A_678] : memref<1x2048x65xbf16, #tpu.memory_space<vmem>>, vector<1x256x65xbf16>
    %get3A_680 = vector.shape_cast %get3A_679 : vector<1x256x65xbf16> to vector<256x65xbf16>
    %convert_element_type3A_681 = arith.truncf %select_n3A_675 : vector<256x256xf32> to vector<256x256xbf16>
    %dot_general3A_682 = arith.constant dense<0.000000e+00> : vector<256x65xf32>
    %dot_general3A_683 = tpu.matmul %convert_element_type3A_681, %get3A_680, %dot_general3A_682 {dimension_numbers = #tpu.dot_dimension_numbers<[1], [0], [0], [1], [0, 0, 1, 1], [], []>, transpose_lhs_hint = false} : vector<256x256xbf16>, vector<256x65xbf16>, vector<256x65xf32> -> vector<256x65xf32>
    %add3A_684 = arith.addf %add3A_661, %dot_general3A_683 : vector<256x65xf32>
    %slice3A_685 = vector.extract_strided_slice %add3A_684 {offsets = [0, 0], sizes = [256, 64], strides = [1, 1]} : vector<256x65xf32> to vector<256x64xf32>
    %slice3A_686 = vector.extract_strided_slice %add3A_684 {offsets = [0, 64], sizes = [256, 1], strides = [1, 1]} : vector<256x65xf32> to vector<256x1xf32>
    %div3A_687 = vector.broadcast %slice3A_686 : vector<256x1xf32> to vector<256x64xf32>
    %div3A_688 = arith.divf %slice3A_685, %div3A_687 : vector<256x64xf32>
    %convert_element_type3A_689 = arith.truncf %div3A_688 : vector<256x64xf32> to vector<256x64xbf16>
    %swap3A_690 = arith.constant 0 : index
    %swap3A_691 = arith.constant 1536 : index
    %swap3A_692 = arith.constant 0 : index
    %swap3A_693 = vector.load %arg4[%swap3A_690, %swap3A_691, %swap3A_692] : memref<1x2048x64xbf16, #tpu.memory_space<vmem>>, vector<1x256x64xbf16>
    %swap3A_694 = vector.shape_cast %swap3A_693 : vector<1x256x64xbf16> to vector<256x64xbf16>
    %swap3A_695 = vector.shape_cast %convert_element_type3A_689 : vector<256x64xbf16> to vector<1x256x64xbf16>
    tpu.vector_store %arg4[%swap3A_690, %swap3A_691, %swap3A_692], %swap3A_695 {strides = array<i32>} : memref<1x2048x64xbf16, #tpu.memory_space<vmem>>, vector<1x256x64xbf16>,
    %get3A_696 = arith.constant 0 : index
    %get3A_697 = arith.constant 1792 : index
    %get3A_698 = arith.constant 0 : index
    %get3A_699 = vector.load %arg1[%get3A_696, %get3A_697, %get3A_698] : memref<1x2048x64xbf16, #tpu.memory_space<vmem>>, vector<1x256x64xbf16>
    %get3A_700 = vector.shape_cast %get3A_699 : vector<1x256x64xbf16> to vector<256x64xbf16>
    %broadcast_in_dim3A_701 = arith.constant 0.000000e+00 : f32
    %broadcast_in_dim3A_702 = vector.broadcast %broadcast_in_dim3A_701 : f32 to vector<256x65xf32>
    %get3A_703 = arith.constant 0 : index
    %get3A_704 = arith.constant 0 : index
    %get3A_705 = arith.constant 0 : index
    %get3A_706 = vector.load %arg2[%get3A_703, %get3A_704, %get3A_705] : memref<1x2048x64xbf16, #tpu.memory_space<vmem>>, vector<1x256x64xbf16>
    %get3A_707 = vector.shape_cast %get3A_706 : vector<1x256x64xbf16> to vector<256x64xbf16>
    %dot_general3A_708 = arith.constant dense<0.000000e+00> : vector<256x256xf32>
    %dot_general3A_709 = tpu.matmul %get3A_700, %get3A_707, %dot_general3A_708 {dimension_numbers = #tpu.dot_dimension_numbers<[1], [1], [0], [0], [0, 0, 1, 0], [], []>, transpose_lhs_hint = false} : vector<256x64xbf16>, vector<256x64xbf16>, vector<256x256xf32> -> vector<256x256xf32>
    %min3A_710 = arith.constant 6.000000e+01 : f32
    %min3A_711 = vector.broadcast %min3A_710 : f32 to vector<256x256xf32>
    %min3A_712 = arith.minimumf %dot_general3A_709, %min3A_711 : vector<256x256xf32>
    %exp3A_713 = math.exp %min3A_712 : vector<256x256xf32>
    %get3A_714 = arith.constant 0 : index
    %get3A_715 = arith.constant 0 : index
    %get3A_716 = arith.constant 0 : index
    %get3A_717 = vector.load %arg3[%get3A_714, %get3A_715, %get3A_716] : memref<1x2048x65xbf16, #tpu.memory_space<vmem>>, vector<1x256x65xbf16>
    %get3A_718 = vector.shape_cast %get3A_717 : vector<1x256x65xbf16> to vector<256x65xbf16>
    %convert_element_type3A_719 = arith.truncf %exp3A_713 : vector<256x256xf32> to vector<256x256xbf16>
    %dot_general3A_720 = arith.constant dense<0.000000e+00> : vector<256x65xf32>
    %dot_general3A_721 = tpu.matmul %convert_element_type3A_719, %get3A_718, %dot_general3A_720 {dimension_numbers = #tpu.dot_dimension_numbers<[1], [0], [0], [1], [0, 0, 1, 1], [], []>, transpose_lhs_hint = false} : vector<256x256xbf16>, vector<256x65xbf16>, vector<256x65xf32> -> vector<256x65xf32>
    %add3A_722 = arith.addf %broadcast_in_dim3A_702, %dot_general3A_721 : vector<256x65xf32>
    %get3A_723 = arith.constant 0 : index
    %get3A_724 = arith.constant 256 : index
    %get3A_725 = arith.constant 0 : index
    %get3A_726 = vector.load %arg2[%get3A_723, %get3A_724, %get3A_725] : memref<1x2048x64xbf16, #tpu.memory_space<vmem>>, vector<1x256x64xbf16>
    %get3A_727 = vector.shape_cast %get3A_726 : vector<1x256x64xbf16> to vector<256x64xbf16>
    %dot_general3A_728 = arith.constant dense<0.000000e+00> : vector<256x256xf32>
    %dot_general3A_729 = tpu.matmul %get3A_700, %get3A_727, %dot_general3A_728 {dimension_numbers = #tpu.dot_dimension_numbers<[1], [1], [0], [0], [0, 0, 1, 0], [], []>, transpose_lhs_hint = false} : vector<256x64xbf16>, vector<256x64xbf16>, vector<256x256xf32> -> vector<256x256xf32>
    %min3A_730 = arith.constant 6.000000e+01 : f32
    %min3A_731 = vector.broadcast %min3A_730 : f32 to vector<256x256xf32>
    %min3A_732 = arith.minimumf %dot_general3A_729, %min3A_731 : vector<256x256xf32>
    %exp3A_733 = math.exp %min3A_732 : vector<256x256xf32>
    %get3A_734 = arith.constant 0 : index
    %get3A_735 = arith.constant 256 : index
    %get3A_736 = arith.constant 0 : index
    %get3A_737 = vector.load %arg3[%get3A_734, %get3A_735, %get3A_736] : memref<1x2048x65xbf16, #tpu.memory_space<vmem>>, vector<1x256x65xbf16>
    %get3A_738 = vector.shape_cast %get3A_737 : vector<1x256x65xbf16> to vector<256x65xbf16>
    %convert_element_type3A_739 = arith.truncf %exp3A_733 : vector<256x256xf32> to vector<256x256xbf16>
    %dot_general3A_740 = arith.constant dense<0.000000e+00> : vector<256x65xf32>
    %dot_general3A_741 = tpu.matmul %convert_element_type3A_739, %get3A_738, %dot_general3A_740 {dimension_numbers = #tpu.dot_dimension_numbers<[1], [0], [0], [1], [0, 0, 1, 1], [], []>, transpose_lhs_hint = false} : vector<256x256xbf16>, vector<256x65xbf16>, vector<256x65xf32> -> vector<256x65xf32>
    %add3A_742 = arith.addf %add3A_722, %dot_general3A_741 : vector<256x65xf32>
    %get3A_743 = arith.constant 0 : index
    %get3A_744 = arith.constant 512 : index
    %get3A_745 = arith.constant 0 : index
    %get3A_746 = vector.load %arg2[%get3A_743, %get3A_744, %get3A_745] : memref<1x2048x64xbf16, #tpu.memory_space<vmem>>, vector<1x256x64xbf16>
    %get3A_747 = vector.shape_cast %get3A_746 : vector<1x256x64xbf16> to vector<256x64xbf16>
    %dot_general3A_748 = arith.constant dense<0.000000e+00> : vector<256x256xf32>
    %dot_general3A_749 = tpu.matmul %get3A_700, %get3A_747, %dot_general3A_748 {dimension_numbers = #tpu.dot_dimension_numbers<[1], [1], [0], [0], [0, 0, 1, 0], [], []>, transpose_lhs_hint = false} : vector<256x64xbf16>, vector<256x64xbf16>, vector<256x256xf32> -> vector<256x256xf32>
    %min3A_750 = arith.constant 6.000000e+01 : f32
    %min3A_751 = vector.broadcast %min3A_750 : f32 to vector<256x256xf32>
    %min3A_752 = arith.minimumf %dot_general3A_749, %min3A_751 : vector<256x256xf32>
    %exp3A_753 = math.exp %min3A_752 : vector<256x256xf32>
    %get3A_754 = arith.constant 0 : index
    %get3A_755 = arith.constant 512 : index
    %get3A_756 = arith.constant 0 : index
    %get3A_757 = vector.load %arg3[%get3A_754, %get3A_755, %get3A_756] : memref<1x2048x65xbf16, #tpu.memory_space<vmem>>, vector<1x256x65xbf16>
    %get3A_758 = vector.shape_cast %get3A_757 : vector<1x256x65xbf16> to vector<256x65xbf16>
    %convert_element_type3A_759 = arith.truncf %exp3A_753 : vector<256x256xf32> to vector<256x256xbf16>
    %dot_general3A_760 = arith.constant dense<0.000000e+00> : vector<256x65xf32>
    %dot_general3A_761 = tpu.matmul %convert_element_type3A_759, %get3A_758, %dot_general3A_760 {dimension_numbers = #tpu.dot_dimension_numbers<[1], [0], [0], [1], [0, 0, 1, 1], [], []>, transpose_lhs_hint = false} : vector<256x256xbf16>, vector<256x65xbf16>, vector<256x65xf32> -> vector<256x65xf32>
    %add3A_762 = arith.addf %add3A_742, %dot_general3A_761 : vector<256x65xf32>
    %get3A_763 = arith.constant 0 : index
    %get3A_764 = arith.constant 768 : index
    %get3A_765 = arith.constant 0 : index
    %get3A_766 = vector.load %arg2[%get3A_763, %get3A_764, %get3A_765] : memref<1x2048x64xbf16, #tpu.memory_space<vmem>>, vector<1x256x64xbf16>
    %get3A_767 = vector.shape_cast %get3A_766 : vector<1x256x64xbf16> to vector<256x64xbf16>
    %dot_general3A_768 = arith.constant dense<0.000000e+00> : vector<256x256xf32>
    %dot_general3A_769 = tpu.matmul %get3A_700, %get3A_767, %dot_general3A_768 {dimension_numbers = #tpu.dot_dimension_numbers<[1], [1], [0], [0], [0, 0, 1, 0], [], []>, transpose_lhs_hint = false} : vector<256x64xbf16>, vector<256x64xbf16>, vector<256x256xf32> -> vector<256x256xf32>
    %min3A_770 = arith.constant 6.000000e+01 : f32
    %min3A_771 = vector.broadcast %min3A_770 : f32 to vector<256x256xf32>
    %min3A_772 = arith.minimumf %dot_general3A_769, %min3A_771 : vector<256x256xf32>
    %exp3A_773 = math.exp %min3A_772 : vector<256x256xf32>
    %get3A_774 = arith.constant 0 : index
    %get3A_775 = arith.constant 768 : index
    %get3A_776 = arith.constant 0 : index
    %get3A_777 = vector.load %arg3[%get3A_774, %get3A_775, %get3A_776] : memref<1x2048x65xbf16, #tpu.memory_space<vmem>>, vector<1x256x65xbf16>
    %get3A_778 = vector.shape_cast %get3A_777 : vector<1x256x65xbf16> to vector<256x65xbf16>
    %convert_element_type3A_779 = arith.truncf %exp3A_773 : vector<256x256xf32> to vector<256x256xbf16>
    %dot_general3A_780 = arith.constant dense<0.000000e+00> : vector<256x65xf32>
    %dot_general3A_781 = tpu.matmul %convert_element_type3A_779, %get3A_778, %dot_general3A_780 {dimension_numbers = #tpu.dot_dimension_numbers<[1], [0], [0], [1], [0, 0, 1, 1], [], []>, transpose_lhs_hint = false} : vector<256x256xbf16>, vector<256x65xbf16>, vector<256x65xf32> -> vector<256x65xf32>
    %add3A_782 = arith.addf %add3A_762, %dot_general3A_781 : vector<256x65xf32>
    %get3A_783 = arith.constant 0 : index
    %get3A_784 = arith.constant 1024 : index
    %get3A_785 = arith.constant 0 : index
    %get3A_786 = vector.load %arg2[%get3A_783, %get3A_784, %get3A_785] : memref<1x2048x64xbf16, #tpu.memory_space<vmem>>, vector<1x256x64xbf16>
    %get3A_787 = vector.shape_cast %get3A_786 : vector<1x256x64xbf16> to vector<256x64xbf16>
    %dot_general3A_788 = arith.constant dense<0.000000e+00> : vector<256x256xf32>
    %dot_general3A_789 = tpu.matmul %get3A_700, %get3A_787, %dot_general3A_788 {dimension_numbers = #tpu.dot_dimension_numbers<[1], [1], [0], [0], [0, 0, 1, 0], [], []>, transpose_lhs_hint = false} : vector<256x64xbf16>, vector<256x64xbf16>, vector<256x256xf32> -> vector<256x256xf32>
    %min3A_790 = arith.constant 6.000000e+01 : f32
    %min3A_791 = vector.broadcast %min3A_790 : f32 to vector<256x256xf32>
    %min3A_792 = arith.minimumf %dot_general3A_789, %min3A_791 : vector<256x256xf32>
    %exp3A_793 = math.exp %min3A_792 : vector<256x256xf32>
    %get3A_794 = arith.constant 0 : index
    %get3A_795 = arith.constant 1024 : index
    %get3A_796 = arith.constant 0 : index
    %get3A_797 = vector.load %arg3[%get3A_794, %get3A_795, %get3A_796] : memref<1x2048x65xbf16, #tpu.memory_space<vmem>>, vector<1x256x65xbf16>
    %get3A_798 = vector.shape_cast %get3A_797 : vector<1x256x65xbf16> to vector<256x65xbf16>
    %convert_element_type3A_799 = arith.truncf %exp3A_793 : vector<256x256xf32> to vector<256x256xbf16>
    %dot_general3A_800 = arith.constant dense<0.000000e+00> : vector<256x65xf32>
    %dot_general3A_801 = tpu.matmul %convert_element_type3A_799, %get3A_798, %dot_general3A_800 {dimension_numbers = #tpu.dot_dimension_numbers<[1], [0], [0], [1], [0, 0, 1, 1], [], []>, transpose_lhs_hint = false} : vector<256x256xbf16>, vector<256x65xbf16>, vector<256x65xf32> -> vector<256x65xf32>
    %add3A_802 = arith.addf %add3A_782, %dot_general3A_801 : vector<256x65xf32>
    %get3A_803 = arith.constant 0 : index
    %get3A_804 = arith.constant 1280 : index
    %get3A_805 = arith.constant 0 : index
    %get3A_806 = vector.load %arg2[%get3A_803, %get3A_804, %get3A_805] : memref<1x2048x64xbf16, #tpu.memory_space<vmem>>, vector<1x256x64xbf16>
    %get3A_807 = vector.shape_cast %get3A_806 : vector<1x256x64xbf16> to vector<256x64xbf16>
    %dot_general3A_808 = arith.constant dense<0.000000e+00> : vector<256x256xf32>
    %dot_general3A_809 = tpu.matmul %get3A_700, %get3A_807, %dot_general3A_808 {dimension_numbers = #tpu.dot_dimension_numbers<[1], [1], [0], [0], [0, 0, 1, 0], [], []>, transpose_lhs_hint = false} : vector<256x64xbf16>, vector<256x64xbf16>, vector<256x256xf32> -> vector<256x256xf32>
    %min3A_810 = arith.constant 6.000000e+01 : f32
    %min3A_811 = vector.broadcast %min3A_810 : f32 to vector<256x256xf32>
    %min3A_812 = arith.minimumf %dot_general3A_809, %min3A_811 : vector<256x256xf32>
    %exp3A_813 = math.exp %min3A_812 : vector<256x256xf32>
    %get3A_814 = arith.constant 0 : index
    %get3A_815 = arith.constant 1280 : index
    %get3A_816 = arith.constant 0 : index
    %get3A_817 = vector.load %arg3[%get3A_814, %get3A_815, %get3A_816] : memref<1x2048x65xbf16, #tpu.memory_space<vmem>>, vector<1x256x65xbf16>
    %get3A_818 = vector.shape_cast %get3A_817 : vector<1x256x65xbf16> to vector<256x65xbf16>
    %convert_element_type3A_819 = arith.truncf %exp3A_813 : vector<256x256xf32> to vector<256x256xbf16>
    %dot_general3A_820 = arith.constant dense<0.000000e+00> : vector<256x65xf32>
    %dot_general3A_821 = tpu.matmul %convert_element_type3A_819, %get3A_818, %dot_general3A_820 {dimension_numbers = #tpu.dot_dimension_numbers<[1], [0], [0], [1], [0, 0, 1, 1], [], []>, transpose_lhs_hint = false} : vector<256x256xbf16>, vector<256x65xbf16>, vector<256x65xf32> -> vector<256x65xf32>
    %add3A_822 = arith.addf %add3A_802, %dot_general3A_821 : vector<256x65xf32>
    %get3A_823 = arith.constant 0 : index
    %get3A_824 = arith.constant 1536 : index
    %get3A_825 = arith.constant 0 : index
    %get3A_826 = vector.load %arg2[%get3A_823, %get3A_824, %get3A_825] : memref<1x2048x64xbf16, #tpu.memory_space<vmem>>, vector<1x256x64xbf16>
    %get3A_827 = vector.shape_cast %get3A_826 : vector<1x256x64xbf16> to vector<256x64xbf16>
    %dot_general3A_828 = arith.constant dense<0.000000e+00> : vector<256x256xf32>
    %dot_general3A_829 = tpu.matmul %get3A_700, %get3A_827, %dot_general3A_828 {dimension_numbers = #tpu.dot_dimension_numbers<[1], [1], [0], [0], [0, 0, 1, 0], [], []>, transpose_lhs_hint = false} : vector<256x64xbf16>, vector<256x64xbf16>, vector<256x256xf32> -> vector<256x256xf32>
    %min3A_830 = arith.constant 6.000000e+01 : f32
    %min3A_831 = vector.broadcast %min3A_830 : f32 to vector<256x256xf32>
    %min3A_832 = arith.minimumf %dot_general3A_829, %min3A_831 : vector<256x256xf32>
    %exp3A_833 = math.exp %min3A_832 : vector<256x256xf32>
    %get3A_834 = arith.constant 0 : index
    %get3A_835 = arith.constant 1536 : index
    %get3A_836 = arith.constant 0 : index
    %get3A_837 = vector.load %arg3[%get3A_834, %get3A_835, %get3A_836] : memref<1x2048x65xbf16, #tpu.memory_space<vmem>>, vector<1x256x65xbf16>
    %get3A_838 = vector.shape_cast %get3A_837 : vector<1x256x65xbf16> to vector<256x65xbf16>
    %convert_element_type3A_839 = arith.truncf %exp3A_833 : vector<256x256xf32> to vector<256x256xbf16>
    %dot_general3A_840 = arith.constant dense<0.000000e+00> : vector<256x65xf32>
    %dot_general3A_841 = tpu.matmul %convert_element_type3A_839, %get3A_838, %dot_general3A_840 {dimension_numbers = #tpu.dot_dimension_numbers<[1], [0], [0], [1], [0, 0, 1, 1], [], []>, transpose_lhs_hint = false} : vector<256x256xbf16>, vector<256x65xbf16>, vector<256x65xf32> -> vector<256x65xf32>
    %add3A_842 = arith.addf %add3A_822, %dot_general3A_841 : vector<256x65xf32>
    %get3A_843 = arith.constant 0 : index
    %get3A_844 = arith.constant 1792 : index
    %get3A_845 = arith.constant 0 : index
    %get3A_846 = vector.load %arg2[%get3A_843, %get3A_844, %get3A_845] : memref<1x2048x64xbf16, #tpu.memory_space<vmem>>, vector<1x256x64xbf16>
    %get3A_847 = vector.shape_cast %get3A_846 : vector<1x256x64xbf16> to vector<256x64xbf16>
    %dot_general3A_848 = arith.constant dense<0.000000e+00> : vector<256x256xf32>
    %dot_general3A_849 = tpu.matmul %get3A_700, %get3A_847, %dot_general3A_848 {dimension_numbers = #tpu.dot_dimension_numbers<[1], [1], [0], [0], [0, 0, 1, 0], [], []>, transpose_lhs_hint = false} : vector<256x64xbf16>, vector<256x64xbf16>, vector<256x256xf32> -> vector<256x256xf32>
    %min3A_850 = arith.constant 6.000000e+01 : f32
    %min3A_851 = vector.broadcast %min3A_850 : f32 to vector<256x256xf32>
    %min3A_852 = arith.minimumf %dot_general3A_849, %min3A_851 : vector<256x256xf32>
    %exp3A_853 = math.exp %min3A_852 : vector<256x256xf32>
    %jit3A_854 = arith.constant 0.000000e+00 : f32
    %broadcast_in_dim3A_855 = vector.broadcast %jit3A_854 : f32 to vector<256x256xf32>
    %select_n3A_856 = arith.select %le3A, %exp3A_853, %broadcast_in_dim3A_855 : vector<256x256xi1>, vector<256x256xf32>
    %get3A_857 = arith.constant 0 : index
    %get3A_858 = arith.constant 1792 : index
    %get3A_859 = arith.constant 0 : index
    %get3A_860 = vector.load %arg3[%get3A_857, %get3A_858, %get3A_859] : memref<1x2048x65xbf16, #tpu.memory_space<vmem>>, vector<1x256x65xbf16>
    %get3A_861 = vector.shape_cast %get3A_860 : vector<1x256x65xbf16> to vector<256x65xbf16>
    %convert_element_type3A_862 = arith.truncf %select_n3A_856 : vector<256x256xf32> to vector<256x256xbf16>
    %dot_general3A_863 = arith.constant dense<0.000000e+00> : vector<256x65xf32>
    %dot_general3A_864 = tpu.matmul %convert_element_type3A_862, %get3A_861, %dot_general3A_863 {dimension_numbers = #tpu.dot_dimension_numbers<[1], [0], [0], [1], [0, 0, 1, 1], [], []>, transpose_lhs_hint = false} : vector<256x256xbf16>, vector<256x65xbf16>, vector<256x65xf32> -> vector<256x65xf32>
    %add3A_865 = arith.addf %add3A_842, %dot_general3A_864 : vector<256x65xf32>
    %slice3A_866 = vector.extract_strided_slice %add3A_865 {offsets = [0, 0], sizes = [256, 64], strides = [1, 1]} : vector<256x65xf32> to vector<256x64xf32>
    %slice3A_867 = vector.extract_strided_slice %add3A_865 {offsets = [0, 64], sizes = [256, 1], strides = [1, 1]} : vector<256x65xf32> to vector<256x1xf32>
    %div3A_868 = vector.broadcast %slice3A_867 : vector<256x1xf32> to vector<256x64xf32>
    %div3A_869 = arith.divf %slice3A_866, %div3A_868 : vector<256x64xf32>
    %convert_element_type3A_870 = arith.truncf %div3A_869 : vector<256x64xf32> to vector<256x64xbf16>
    %swap3A_871 = arith.constant 0 : index
    %swap3A_872 = arith.constant 1792 : index
    %swap3A_873 = arith.constant 0 : index
    %swap3A_874 = vector.load %arg4[%swap3A_871, %swap3A_872, %swap3A_873] : memref<1x2048x64xbf16, #tpu.memory_space<vmem>>, vector<1x256x64xbf16>
    %swap3A_875 = vector.shape_cast %swap3A_874 : vector<1x256x64xbf16> to vector<256x64xbf16>
    %swap3A_876 = vector.shape_cast %convert_element_type3A_870 : vector<256x64xbf16> to vector<1x256x64xbf16>
    tpu.vector_store %arg4[%swap3A_871, %swap3A_872, %swap3A_873], %swap3A_876 {strides = array<i32>} : memref<1x2048x64xbf16, #tpu.memory_space<vmem>>, vector<1x256x64xbf16>,
    return
  }
  func.func @transform_0(%arg0: i32) -> (i32, i32, i32) {
    %c0_i32 = arith.constant 0 : i32
    %c0_i32_0 = arith.constant 0 : i32
    %c0_i32_1 = arith.constant 0 : i32
    return %arg0, %c0_i32, %c0_i32_0 : i32, i32, i32
  }
  func.func @transform_1(%arg0: i32) -> (i32, i32, i32) {
    %c0_i32 = arith.constant 0 : i32
    %c0_i32_0 = arith.constant 0 : i32
    %c0_i32_1 = arith.constant 0 : i32
    return %arg0, %c0_i32, %c0_i32_0 : i32, i32, i32
  }
  func.func @transform_2(%arg0: i32) -> (i32, i32, i32) {
    %c0_i32 = arith.constant 0 : i32
    %c0_i32_0 = arith.constant 0 : i32
    %c0_i32_1 = arith.constant 0 : i32
    return %arg0, %c0_i32, %c0_i32_0 : i32, i32, i32
  }
  func.func @transform_3(%arg0: i32) -> (i32, i32, i32) {
    %c0_i32 = arith.constant 0 : i32
    %c0_i32_0 = arith.constant 0 : i32
    %c0_i32_1 = arith.constant 0 : i32
    return %arg0, %c0_i32, %c0_i32_0 : i32, i32, i32
  }
}

module attributes {stable_mosaic.version = 14 : i64} {
  func.func @_proj_kernel(%arg0: memref<2048x1024xbf16, #tpu.memory_space<vmem>>, %arg1: memref<1024x1024xbf16, #tpu.memory_space<vmem>>, %arg2: memref<2048x1024xf32, #tpu.memory_space<vmem>>, %arg3: memref<2048x1024xf32, #tpu.memory_space<vmem>>) attributes {dimension_semantics = [], scalar_prefetch = 0 : i64, scratch_operands = 0 : i64, tpu.core_type = #tpu.core_type<tc>} {
    %get3A = arith.constant 0 : index
    %get3A_0 = arith.constant 0 : index
    %get3A_1 = vector.load %arg2[%get3A, %get3A_0] : memref<2048x1024xf32, #tpu.memory_space<vmem>>, vector<2048x1024xf32>
    %get3A_2 = arith.constant 0 : index
    %get3A_3 = arith.constant 0 : index
    %get3A_4 = vector.load %arg0[%get3A_2, %get3A_3] : memref<2048x1024xbf16, #tpu.memory_space<vmem>>, vector<2048x1024xbf16>
    %get3A_5 = arith.constant 0 : index
    %get3A_6 = arith.constant 0 : index
    %get3A_7 = vector.load %arg1[%get3A_5, %get3A_6] : memref<1024x1024xbf16, #tpu.memory_space<vmem>>, vector<1024x1024xbf16>
    %dot_general3A = arith.constant dense<0.000000e+00> : vector<2048x1024xf32>
    %dot_general3A_8 = tpu.matmul %get3A_4, %get3A_7, %dot_general3A {dimension_numbers = #tpu.dot_dimension_numbers<[1], [0], [0], [1], [0, 0, 1, 1], [], []>, transpose_lhs_hint = false} : vector<2048x1024xbf16>, vector<1024x1024xbf16>, vector<2048x1024xf32> -> vector<2048x1024xf32>
    %add3A = arith.addf %get3A_1, %dot_general3A_8 : vector<2048x1024xf32>
    %swap3A = arith.constant 0 : index
    %swap3A_9 = arith.constant 0 : index
    %swap3A_10 = vector.load %arg3[%swap3A, %swap3A_9] : memref<2048x1024xf32, #tpu.memory_space<vmem>>, vector<2048x1024xf32>
    tpu.vector_store %arg3[%swap3A, %swap3A_9], %add3A {strides = array<i32>} : memref<2048x1024xf32, #tpu.memory_space<vmem>>, vector<2048x1024xf32>,
    return
  }
}

module attributes {stable_mosaic.version = 14 : i64} {
  func.func @_gffn_kernel(%arg0: i32, %arg1: memref<30xi32, #tpu.memory_space<smem>>, %arg2: memref<256x1024xf32, #tpu.memory_space<vmem>>, %arg3: memref<256x1xf32, #tpu.memory_space<vmem>>, %arg4: memref<1x1024x256xbf16, #tpu.memory_space<vmem>>, %arg5: memref<1x1024x256xbf16, #tpu.memory_space<vmem>>, %arg6: memref<1x256x1024xbf16, #tpu.memory_space<vmem>>, %arg7: memref<256x1024xf32, #tpu.memory_space<vmem>>) attributes {dimension_semantics = [#tpu.dimension_semantics<arbitrary>], iteration_bounds = array<i64: 30>, scalar_prefetch = 1 : i64, scratch_operands = 0 : i64, tpu.core_type = #tpu.core_type<tc>, window_params = [{transform_indices = @transform_0, window_bounds = array<i64: 256, 1024>}, {transform_indices = @transform_1, window_bounds = array<i64: 256, 1>}, {transform_indices = @transform_2, window_bounds = array<i64: 1, 1024, 256>}, {transform_indices = @transform_3, window_bounds = array<i64: 1, 1024, 256>}, {transform_indices = @transform_4, window_bounds = array<i64: 1, 256, 1024>}, {transform_indices = @transform_5, window_bounds = array<i64: 256, 1024>}]} {
    %get3A = arith.constant 0 : index
    %get3A_0 = arith.constant 0 : index
    %get3A_1 = vector.load %arg2[%get3A, %get3A_0] : memref<256x1024xf32, #tpu.memory_space<vmem>>, vector<256x1024xf32>
    %convert_element_type3A = arith.truncf %get3A_1 : vector<256x1024xf32> to vector<256x1024xbf16>
    %get3A_2 = arith.constant 0 : index
    %get3A_3 = arith.constant 0 : index
    %get3A_4 = arith.constant 0 : index
    %get3A_5 = vector.load %arg4[%get3A_2, %get3A_3, %get3A_4] : memref<1x1024x256xbf16, #tpu.memory_space<vmem>>, vector<1x1024x256xbf16>
    %get3A_6 = vector.shape_cast %get3A_5 : vector<1x1024x256xbf16> to vector<1024x256xbf16>
    %dot_general3A = arith.constant dense<0.000000e+00> : vector<256x256xf32>
    %dot_general3A_7 = tpu.matmul %convert_element_type3A, %get3A_6, %dot_general3A {dimension_numbers = #tpu.dot_dimension_numbers<[1], [0], [0], [1], [0, 0, 1, 1], [], []>, transpose_lhs_hint = false} : vector<256x1024xbf16>, vector<1024x256xbf16>, vector<256x256xf32> -> vector<256x256xf32>
    %get3A_8 = arith.constant 0 : index
    %get3A_9 = arith.constant 0 : index
    %get3A_10 = arith.constant 0 : index
    %get3A_11 = vector.load %arg5[%get3A_8, %get3A_9, %get3A_10] : memref<1x1024x256xbf16, #tpu.memory_space<vmem>>, vector<1x1024x256xbf16>
    %get3A_12 = vector.shape_cast %get3A_11 : vector<1x1024x256xbf16> to vector<1024x256xbf16>
    %dot_general3A_13 = arith.constant dense<0.000000e+00> : vector<256x256xf32>
    %dot_general3A_14 = tpu.matmul %convert_element_type3A, %get3A_12, %dot_general3A_13 {dimension_numbers = #tpu.dot_dimension_numbers<[1], [0], [0], [1], [0, 0, 1, 1], [], []>, transpose_lhs_hint = false} : vector<256x1024xbf16>, vector<1024x256xbf16>, vector<256x256xf32> -> vector<256x256xf32>
    %logistic3A = arith.negf %dot_general3A_7 : vector<256x256xf32>
    %logistic3A_15 = math.exp %logistic3A : vector<256x256xf32>
    %logistic3A_16 = arith.constant 1.000000e+00 : f32
    %logistic3A_17 = vector.broadcast %logistic3A_16 : f32 to vector<256x256xf32>
    %logistic3A_18 = arith.addf %logistic3A_17, %logistic3A_15 : vector<256x256xf32>
    %logistic3A_19 = arith.divf %logistic3A_17, %logistic3A_18 : vector<256x256xf32>
    %mul3A = arith.mulf %dot_general3A_7, %logistic3A_19 : vector<256x256xf32>
    %mul3A_20 = arith.mulf %mul3A, %dot_general3A_14 : vector<256x256xf32>
    %convert_element_type3A_21 = arith.truncf %mul3A_20 : vector<256x256xf32> to vector<256x256xbf16>
    %get3A_22 = arith.constant 0 : index
    %get3A_23 = arith.constant 0 : index
    %get3A_24 = arith.constant 0 : index
    %get3A_25 = vector.load %arg6[%get3A_22, %get3A_23, %get3A_24] : memref<1x256x1024xbf16, #tpu.memory_space<vmem>>, vector<1x256x1024xbf16>
    %get3A_26 = vector.shape_cast %get3A_25 : vector<1x256x1024xbf16> to vector<256x1024xbf16>
    %dot_general3A_27 = arith.constant dense<0.000000e+00> : vector<256x1024xf32>
    %dot_general3A_28 = tpu.matmul %convert_element_type3A_21, %get3A_26, %dot_general3A_27 {dimension_numbers = #tpu.dot_dimension_numbers<[1], [0], [0], [1], [0, 0, 1, 1], [], []>, transpose_lhs_hint = false} : vector<256x256xbf16>, vector<256x1024xbf16>, vector<256x1024xf32> -> vector<256x1024xf32>
    %get3A_29 = arith.constant 0 : index
    %get3A_30 = arith.constant 0 : index
    %get3A_31 = vector.load %arg3[%get3A_29, %get3A_30] : memref<256x1xf32, #tpu.memory_space<vmem>>, vector<256x1xf32>
    %mul3A_32 = vector.broadcast %get3A_31 : vector<256x1xf32> to vector<256x1024xf32>
    %mul3A_33 = arith.mulf %dot_general3A_28, %mul3A_32 : vector<256x1024xf32>
    %swap3A = arith.constant 0 : index
    %swap3A_34 = arith.constant 0 : index
    %swap3A_35 = vector.load %arg7[%swap3A, %swap3A_34] : memref<256x1024xf32, #tpu.memory_space<vmem>>, vector<256x1024xf32>
    tpu.vector_store %arg7[%swap3A, %swap3A_34], %mul3A_33 {strides = array<i32>} : memref<256x1024xf32, #tpu.memory_space<vmem>>, vector<256x1024xf32>,
    return
  }
  func.func @transform_0(%arg0: i32, %arg1: memref<30xi32, #tpu.memory_space<smem>>) -> (i32, i32) {
    %c0_i32 = arith.constant 0 : i32
    %c0_i32_0 = arith.constant 0 : i32
    return %arg0, %c0_i32 : i32, i32
  }
  func.func @transform_1(%arg0: i32, %arg1: memref<30xi32, #tpu.memory_space<smem>>) -> (i32, i32) {
    %c0_i32 = arith.constant 0 : i32
    %c0_i32_0 = arith.constant 0 : i32
    return %arg0, %c0_i32 : i32, i32
  }
  func.func @transform_2(%arg0: i32, %arg1: memref<30xi32, #tpu.memory_space<smem>>) -> (i32, i32, i32) {
    %get3A = arith.index_cast %arg0 : i32 to index
    %get3A_0 = memref.load %arg1[%get3A] : memref<30xi32, #tpu.memory_space<smem>>
    %c0_i32 = arith.constant 0 : i32
    %c0_i32_1 = arith.constant 0 : i32
    %c0_i32_2 = arith.constant 0 : i32
    return %get3A_0, %c0_i32, %c0_i32_1 : i32, i32, i32
  }
  func.func @transform_3(%arg0: i32, %arg1: memref<30xi32, #tpu.memory_space<smem>>) -> (i32, i32, i32) {
    %get3A = arith.index_cast %arg0 : i32 to index
    %get3A_0 = memref.load %arg1[%get3A] : memref<30xi32, #tpu.memory_space<smem>>
    %c0_i32 = arith.constant 0 : i32
    %c0_i32_1 = arith.constant 0 : i32
    %c0_i32_2 = arith.constant 0 : i32
    return %get3A_0, %c0_i32, %c0_i32_1 : i32, i32, i32
  }
  func.func @transform_4(%arg0: i32, %arg1: memref<30xi32, #tpu.memory_space<smem>>) -> (i32, i32, i32) {
    %get3A = arith.index_cast %arg0 : i32 to index
    %get3A_0 = memref.load %arg1[%get3A] : memref<30xi32, #tpu.memory_space<smem>>
    %c0_i32 = arith.constant 0 : i32
    %c0_i32_1 = arith.constant 0 : i32
    %c0_i32_2 = arith.constant 0 : i32
    return %get3A_0, %c0_i32, %c0_i32_1 : i32, i32, i32
  }
  func.func @transform_5(%arg0: i32, %arg1: memref<30xi32, #tpu.memory_space<smem>>) -> (i32, i32) {
    %c0_i32 = arith.constant 0 : i32
    %c0_i32_0 = arith.constant 0 : i32
    return %arg0, %c0_i32 : i32, i32
  }
}

module attributes {stable_mosaic.version = 14 : i64} {
  func.func @_shared_kernel(%arg0: i32, %arg1: memref<2048x1024xbf16, #tpu.memory_space<vmem>>, %arg2: memref<2048x1024xf32, #tpu.memory_space<vmem>>, %arg3: memref<1x1024x256xbf16, #tpu.memory_space<vmem>>, %arg4: memref<1x1024x256xbf16, #tpu.memory_space<vmem>>, %arg5: memref<1x256x1024xbf16, #tpu.memory_space<vmem>>, %arg6: memref<2048x1024xf32, #tpu.memory_space<vmem>>) attributes {dimension_semantics = [#tpu.dimension_semantics<arbitrary>], iteration_bounds = array<i64: 2>, scalar_prefetch = 0 : i64, scratch_operands = 0 : i64, tpu.core_type = #tpu.core_type<tc>, window_params = [{pipeline_mode = #tpu.pipeline_mode<synchronous>, transform_indices = @transform_0, window_bounds = array<i64: 2048, 1024>}, {pipeline_mode = #tpu.pipeline_mode<synchronous>, transform_indices = @transform_1, window_bounds = array<i64: 2048, 1024>}, {transform_indices = @transform_2, window_bounds = array<i64: 1, 1024, 256>}, {transform_indices = @transform_3, window_bounds = array<i64: 1, 1024, 256>}, {transform_indices = @transform_4, window_bounds = array<i64: 1, 256, 1024>}, {pipeline_mode = #tpu.pipeline_mode<synchronous>, transform_indices = @transform_5, window_bounds = array<i64: 2048, 1024>}]} {
    %get3A = arith.constant 0 : index
    %get3A_0 = arith.constant 0 : index
    %get3A_1 = vector.load %arg1[%get3A, %get3A_0] : memref<2048x1024xbf16, #tpu.memory_space<vmem>>, vector<2048x1024xbf16>
    %get3A_2 = arith.constant 0 : index
    %get3A_3 = arith.constant 0 : index
    %get3A_4 = arith.constant 0 : index
    %get3A_5 = vector.load %arg3[%get3A_2, %get3A_3, %get3A_4] : memref<1x1024x256xbf16, #tpu.memory_space<vmem>>, vector<1x1024x256xbf16>
    %get3A_6 = vector.shape_cast %get3A_5 : vector<1x1024x256xbf16> to vector<1024x256xbf16>
    %dot_general3A = arith.constant dense<0.000000e+00> : vector<2048x256xf32>
    %dot_general3A_7 = tpu.matmul %get3A_1, %get3A_6, %dot_general3A {dimension_numbers = #tpu.dot_dimension_numbers<[1], [0], [0], [1], [0, 0, 1, 1], [], []>, transpose_lhs_hint = false} : vector<2048x1024xbf16>, vector<1024x256xbf16>, vector<2048x256xf32> -> vector<2048x256xf32>
    %get3A_8 = arith.constant 0 : index
    %get3A_9 = arith.constant 0 : index
    %get3A_10 = arith.constant 0 : index
    %get3A_11 = vector.load %arg4[%get3A_8, %get3A_9, %get3A_10] : memref<1x1024x256xbf16, #tpu.memory_space<vmem>>, vector<1x1024x256xbf16>
    %get3A_12 = vector.shape_cast %get3A_11 : vector<1x1024x256xbf16> to vector<1024x256xbf16>
    %dot_general3A_13 = arith.constant dense<0.000000e+00> : vector<2048x256xf32>
    %dot_general3A_14 = tpu.matmul %get3A_1, %get3A_12, %dot_general3A_13 {dimension_numbers = #tpu.dot_dimension_numbers<[1], [0], [0], [1], [0, 0, 1, 1], [], []>, transpose_lhs_hint = false} : vector<2048x1024xbf16>, vector<1024x256xbf16>, vector<2048x256xf32> -> vector<2048x256xf32>
    %logistic3A = arith.negf %dot_general3A_7 : vector<2048x256xf32>
    %logistic3A_15 = math.exp %logistic3A : vector<2048x256xf32>
    %logistic3A_16 = arith.constant 1.000000e+00 : f32
    %logistic3A_17 = vector.broadcast %logistic3A_16 : f32 to vector<2048x256xf32>
    %logistic3A_18 = arith.addf %logistic3A_17, %logistic3A_15 : vector<2048x256xf32>
    %logistic3A_19 = arith.divf %logistic3A_17, %logistic3A_18 : vector<2048x256xf32>
    %mul3A = arith.mulf %dot_general3A_7, %logistic3A_19 : vector<2048x256xf32>
    %mul3A_20 = arith.mulf %mul3A, %dot_general3A_14 : vector<2048x256xf32>
    %convert_element_type3A = arith.truncf %mul3A_20 : vector<2048x256xf32> to vector<2048x256xbf16>
    %get3A_21 = arith.constant 0 : index
    %get3A_22 = arith.constant 0 : index
    %get3A_23 = arith.constant 0 : index
    %get3A_24 = vector.load %arg5[%get3A_21, %get3A_22, %get3A_23] : memref<1x256x1024xbf16, #tpu.memory_space<vmem>>, vector<1x256x1024xbf16>
    %get3A_25 = vector.shape_cast %get3A_24 : vector<1x256x1024xbf16> to vector<256x1024xbf16>
    %dot_general3A_26 = arith.constant dense<0.000000e+00> : vector<2048x1024xf32>
    %dot_general3A_27 = tpu.matmul %convert_element_type3A, %get3A_25, %dot_general3A_26 {dimension_numbers = #tpu.dot_dimension_numbers<[1], [0], [0], [1], [0, 0, 1, 1], [], []>, transpose_lhs_hint = false} : vector<2048x256xbf16>, vector<256x1024xbf16>, vector<2048x1024xf32> -> vector<2048x1024xf32>
    %mul3A_28 = arith.constant 2.500000e-01 : f32
    %mul3A_29 = vector.broadcast %mul3A_28 : f32 to vector<2048x1024xf32>
    %mul3A_30 = arith.mulf %dot_general3A_27, %mul3A_29 : vector<2048x1024xf32>
    %eq3A = arith.constant 0 : i32
    %eq3A_31 = arith.cmpi eq, %arg0, %eq3A : i32
    %convert_element_type3A_32 = arith.extui %eq3A_31 : i1 to i32
    %cond3A = arith.constant 0 : i32
    %cond3A_33 = arith.cmpi ne, %convert_element_type3A_32, %cond3A : i32
    scf.if %cond3A_33 {
      %get3A_38 = arith.constant 0 : index
      %get3A_39 = arith.constant 0 : index
      %get3A_40 = vector.load %arg2[%get3A_38, %get3A_39] : memref<2048x1024xf32, #tpu.memory_space<vmem>>, vector<2048x1024xf32>
      %add3A = arith.addf %get3A_40, %mul3A_30 : vector<2048x1024xf32>
      %swap3A = arith.constant 0 : index
      %swap3A_41 = arith.constant 0 : index
      %swap3A_42 = vector.load %arg6[%swap3A, %swap3A_41] : memref<2048x1024xf32, #tpu.memory_space<vmem>>, vector<2048x1024xf32>
      tpu.vector_store %arg6[%swap3A, %swap3A_41], %add3A {strides = array<i32>} : memref<2048x1024xf32, #tpu.memory_space<vmem>>, vector<2048x1024xf32>,
    } else {
    }
    %ne3A = arith.constant 0 : i32
    %ne3A_34 = arith.cmpi ne, %arg0, %ne3A : i32
    %convert_element_type3A_35 = arith.extui %ne3A_34 : i1 to i32
    %cond3A_36 = arith.constant 0 : i32
    %cond3A_37 = arith.cmpi ne, %convert_element_type3A_35, %cond3A_36 : i32
    scf.if %cond3A_37 {
      %get3A_38 = arith.constant 0 : index
      %get3A_39 = arith.constant 0 : index
      %get3A_40 = vector.load %arg6[%get3A_38, %get3A_39] : memref<2048x1024xf32, #tpu.memory_space<vmem>>, vector<2048x1024xf32>
      %add3A = arith.addf %get3A_40, %mul3A_30 : vector<2048x1024xf32>
      %swap3A = arith.constant 0 : index
      %swap3A_41 = arith.constant 0 : index
      %swap3A_42 = vector.load %arg6[%swap3A, %swap3A_41] : memref<2048x1024xf32, #tpu.memory_space<vmem>>, vector<2048x1024xf32>
      tpu.vector_store %arg6[%swap3A, %swap3A_41], %add3A {strides = array<i32>} : memref<2048x1024xf32, #tpu.memory_space<vmem>>, vector<2048x1024xf32>,
    } else {
    }
    return
  }
  func.func @transform_0(%arg0: i32) -> (i32, i32) {
    %c0_i32 = arith.constant 0 : i32
    %c0_i32_0 = arith.constant 0 : i32
    %c0_i32_1 = arith.constant 0 : i32
    return %c0_i32, %c0_i32_0 : i32, i32
  }
  func.func @transform_1(%arg0: i32) -> (i32, i32) {
    %c0_i32 = arith.constant 0 : i32
    %c0_i32_0 = arith.constant 0 : i32
    %c0_i32_1 = arith.constant 0 : i32
    return %c0_i32, %c0_i32_0 : i32, i32
  }
  func.func @transform_2(%arg0: i32) -> (i32, i32, i32) {
    %c0_i32 = arith.constant 0 : i32
    %c0_i32_0 = arith.constant 0 : i32
    %c0_i32_1 = arith.constant 0 : i32
    return %arg0, %c0_i32, %c0_i32_0 : i32, i32, i32
  }
  func.func @transform_3(%arg0: i32) -> (i32, i32, i32) {
    %c0_i32 = arith.constant 0 : i32
    %c0_i32_0 = arith.constant 0 : i32
    %c0_i32_1 = arith.constant 0 : i32
    return %arg0, %c0_i32, %c0_i32_0 : i32, i32, i32
  }
  func.func @transform_4(%arg0: i32) -> (i32, i32, i32) {
    %c0_i32 = arith.constant 0 : i32
    %c0_i32_0 = arith.constant 0 : i32
    %c0_i32_1 = arith.constant 0 : i32
    return %arg0, %c0_i32, %c0_i32_0 : i32, i32, i32
  }
  func.func @transform_5(%arg0: i32) -> (i32, i32) {
    %c0_i32 = arith.constant 0 : i32
    %c0_i32_0 = arith.constant 0 : i32
    %c0_i32_1 = arith.constant 0 : i32
    return %c0_i32, %c0_i32_0 : i32, i32
  }
}

module attributes {stable_mosaic.version = 14 : i64} {
  func.func @_combine_kernel(%arg0: memref<2048x1024xf32, #tpu.memory_space<vmem>>, %arg1: memref<2x2048x1024xf32, #tpu.memory_space<vmem>>, %arg2: memref<2048x1024xf32, #tpu.memory_space<vmem>>) attributes {dimension_semantics = [], scalar_prefetch = 0 : i64, scratch_operands = 0 : i64, tpu.core_type = #tpu.core_type<tc>} {
    %get3A = arith.constant 0 : index
    %get3A_0 = arith.constant 0 : index
    %get3A_1 = vector.load %arg0[%get3A, %get3A_0] : memref<2048x1024xf32, #tpu.memory_space<vmem>>, vector<2048x1024xf32>
    %get3A_2 = arith.constant 0 : index
    %get3A_3 = arith.constant 0 : index
    %get3A_4 = arith.constant 0 : index
    %get3A_5 = vector.load %arg1[%get3A_2, %get3A_3, %get3A_4] : memref<2x2048x1024xf32, #tpu.memory_space<vmem>>, vector<1x2048x1024xf32>
    %get3A_6 = vector.shape_cast %get3A_5 : vector<1x2048x1024xf32> to vector<2048x1024xf32>
    %add3A = arith.addf %get3A_1, %get3A_6 : vector<2048x1024xf32>
    %get3A_7 = arith.constant 1 : index
    %get3A_8 = arith.constant 0 : index
    %get3A_9 = arith.constant 0 : index
    %get3A_10 = vector.load %arg1[%get3A_7, %get3A_8, %get3A_9] : memref<2x2048x1024xf32, #tpu.memory_space<vmem>>, vector<1x2048x1024xf32>
    %get3A_11 = vector.shape_cast %get3A_10 : vector<1x2048x1024xf32> to vector<2048x1024xf32>
    %add3A_12 = arith.addf %add3A, %get3A_11 : vector<2048x1024xf32>
    %swap3A = arith.constant 0 : index
    %swap3A_13 = arith.constant 0 : index
    %swap3A_14 = vector.load %arg2[%swap3A, %swap3A_13] : memref<2048x1024xf32, #tpu.memory_space<vmem>>, vector<2048x1024xf32>
    tpu.vector_store %arg2[%swap3A, %swap3A_13], %add3A_12 {strides = array<i32>} : memref<2048x1024xf32, #tpu.memory_space<vmem>>, vector<2048x1024xf32>,
    return
  }
}

</mosaic_0001>

<sc_bundles>
// kernel: gather_offload_async_start.1
scs
__scs_entry_jumppad:
0x0: {  	(pc) =	sbr.rel $0x88, $3  }
0x1: {  	(tag) =	ssettag $0x0;
	lr =	simm.s32 $0x1  }
0x2: {  	[smem:$0x3F8E] =	sst lr;
	_ =	strace $0xD0000000  }
0x3: {  	_ = 	snop  }
0x4: {  	_ = 	snop  }
0x5: {  	_ = 	snop  }
0x6: {  	_ = 	snop  }
0x7: {  	_ = 	snop  }
__scs_overlays_trampoline_lowered:
0x8: {  	[smem:$0x3F9D] =	sst s0  }
0x9: {  	[smem:$0x3F9E] =	sst s1  }
0xa: {  	[smem:$0x3F9F] =	sst s2  }
0xb: {  	[smem:$0x3FA0] =	sst s3  }
0xc: {  	[smem:$0x3FA1] =	sst s4  }
0xd: {  	[smem:$0x3FA2] =	sst s5  }
0xe: {  	[smem:$0x3FA3] =	sst s6  }
0xf: {  	[smem:$0x3FA4] =	sst s7  }
0x10: {  	[smem:$0x3FA5] =	sst s8  }
0x11: {  	[smem:$0x3FA6] =	sst s9;
	s0 =	simm.s32 @!p0 $0x0  }
0x12: {  	s1 =	sld [smem:$0x3F8C];
	s0 =	simm.s32 @p0 $0x1  }
0x13: {  	[smem:$0x3FA7] =	sst s0;
	s0 =	simm.s32 @!p1 $0x0  }
0x14: {  	s2 =	sld [smem:$0x3F8B];
	s0 =	simm.s32 @p1 $0x1  }
0x15: {  	[smem:$0x3FA8] =	sst s0;
	s0 =	simm.s32 @!p2 $0x0  }
0x16: {  	s3 =	sld [smem:$0x3FDB];
	s0 =	simm.s32 @p2 $0x1  }
0x17: {  	s4 =	simm.s32 $0x1BF5;
	[smem:$0x3FAA] =	sst s0  }
0x18: {  	s0 =	sld [smem:$0x3F8D];
	_ =	swait.ge [sflag:s4], $0x0  }
0x19: {  	s7 =	sld [smem:$0x3F8E]  }
0x1a: {  	s8 =	sadd.s32 $0xFFFFE003, lr  }
0x1b: {  	s9 =	sadd.s32 $0xFFFFFEF7, lr;
	s5 =	simm.s32 $0xFFFFFFFF;
	p2 =	slt.u32 s8, $0xFFFFF086  }
0x1c: {  	p1 =	slt.u32 s9, $0xF7A;
	s5 =	simm.s32 @!p2 $0x0  }
0x1d: {  	s5 =	simm.s32 @p1 $0x1;
	p0 =	seq.s32 s7, s2  }
0x1e: {  	s7 =	smul.u32 @!p0 $0xF7A, s2;
	p2 =	seq.s32 @!p0 s5, $0x0  }
0x1f: {  	s9 =	smul.u32 $0xF7A, s1;
	s8 =	simm.s32 @!p0 $0x1BF5;
	p2 =	por !p2, p0  }
0x20: {  	[sflag:s8] =	ssyncset.s32 @!p0 $0xFFFFF086;
	s6 =	sadd.s32 @!p0 s3, s7;
	s7 =	simm.s32 @!p0 $0x108  }
0x21: {  	s3 =	sadd.s32 s3, s9;
	s6 =	sadd.s32 @!p0 $0x88, s6;
	s7 =	simm.s32 @p2 $0x1082  }
0x22: {  	[simem:s7], [sflag:s8] =	dma.local @!p0 [hbm:s6], $0xF7A  }
0x23: {  	s9 =	sor.u32 $0xD0000000, s2;
	s6 =	simm.s32 $0x108;
	_ =	swait.ge @!p0 [sflag:s8], $0x0  }
0x24: {  	s3 =	sadd.s32 $0x88, s3;
	s6 =	simm.s32 @!p1 $0x1082;
	[sflag:s4] =	ssyncset.s32 $0xFFFFF086  }
0x25: {  	[simem:s6], [sflag:s4] =	dma.local [hbm:s3], $0xF7A  }
0x26: {  	[smem:$0x3F8E] =	sst s1;
	(tag) =	ssettag s2;
	_ =	strace s9  }
0x27: {  	s1 =	sld [smem:$0x3F9E]  }
0x28: {  	s2 =	sld [smem:$0x3F9F]  }
0x29: {  	s4 =	sld [smem:$0x3FA1]  }
0x2a: {  	p0 =	seq.s32 s5, $0x0;
	s5 =	sld [smem:$0x3FA2]  }
0x2b: {  	s6 =	sld [smem:$0x3FA3]  }
0x2c: {  	s7 =	sld [smem:$0x3FA4]  }
0x2d: {  	s3 =	simm.s32 $0x108;
	s8 =	sld [smem:$0x3FA5]  }
0x2e: {  	s3 =	simm.s32 @!p0 $0x1082;
	s9 =	sld [smem:$0x3FA6]  }
0x2f: {  	lr =	sadd.s32 s0, s3;
	s0 =	sld [smem:$0x3F9D]  }
0x30: {  	s3 =	sld [smem:$0x3FA0]  }
0x31: {  	[smem:$0x3FA9] =	sst s10  }
0x32: {  	s10 =	sld [smem:$0x3FA7];
	_ =	sdelay $0x3  }
0x33: {  	p0 =	seq.s32 s10, $0x1;
	s10 =	sld [smem:$0x3FA9];
	_ =	sdelay $0x3  }
0x34: {  	[smem:$0x3FA9] =	sst s10  }
0x35: {  	s10 =	sld [smem:$0x3FA8];
	_ =	sdelay $0x3  }
0x36: {  	p1 =	seq.s32 s10, $0x1;
	s10 =	sld [smem:$0x3FA9];
	_ =	sdelay $0x3  }
0x37: {  	[smem:$0x3FA9] =	sst s10  }
0x38: {  	s10 =	sld [smem:$0x3FAA]  }
0x39: {  	_ = 	snop;
	(pc) =	sbr.ind lr, $3  }
0x3a: {  	_ = 	snop  }
0x3b: {  	_ = 	snop  }
0x3c: {  	p2 =	seq.s32 s10, $0x1;
	s10 =	sld [smem:$0x3FA9]  }
0x3d: {  	_ =	shalt  }
0x3e: {  	_ =	shalt  }
0x3f: {  	_ =	shalt  }
0x40: {  	_ =	shalt  }
0x41: {  	_ =	shalt  }
0x42: {  	_ =	shalt  }
0x43: {  	_ =	shalt  }
0x44: {  	_ =	shalt  }
0x45: {  	_ =	shalt  }
0x46: {  	_ =	shalt  }
0x47: {  	_ =	shalt  }
0x48: {  	_ =	shalt  }
0x49: {  	_ =	shalt  }
0x4a: {  	_ =	shalt  }
0x4b: {  	_ =	shalt  }
0x4c: {  	_ =	shalt  }
0x4d: {  	_ =	shalt  }
0x4e: {  	_ =	shalt  }
0x4f: {  	_ =	shalt  }
0x50: {  	_ =	shalt  }
0x51: {  	_ =	shalt  }
0x52: {  	_ =	shalt  }
0x53: {  	_ =	shalt  }
0x54: {  	_ =	shalt  }
0x55: {  	_ =	shalt  }
0x56: {  	_ =	shalt  }
0x57: {  	_ =	shalt  }
0x58: {  	_ =	shalt  }
0x59: {  	_ =	shalt  }
0x5a: {  	_ =	shalt  }
0x5b: {  	_ =	shalt  }
0x5c: {  	_ =	shalt  }
0x5d: {  	_ =	shalt  }
0x5e: {  	_ =	shalt  }
0x5f: {  	_ =	shalt  }
0x60: {  	_ =	shalt  }
0x61: {  	_ =	shalt  }
0x62: {  	_ =	shalt  }
0x63: {  	_ =	shalt  }
0x64: {  	_ =	shalt  }
0x65: {  	_ =	shalt  }
0x66: {  	_ =	shalt  }
0x67: {  	_ =	shalt  }
0x68: {  	_ =	shalt  }
0x69: {  	_ =	shalt  }
0x6a: {  	_ =	shalt  }
0x6b: {  	_ =	shalt  }
0x6c: {  	_ =	shalt  }
0x6d: {  	_ =	shalt  }
0x6e: {  	_ =	shalt  }
0x6f: {  	_ =	shalt  }
0x70: {  	_ =	shalt  }
0x71: {  	_ =	shalt  }
0x72: {  	_ =	shalt  }
0x73: {  	_ =	shalt  }
0x74: {  	_ =	shalt  }
0x75: {  	_ =	shalt  }
0x76: {  	_ =	shalt  }
0x77: {  	_ =	shalt  }
0x78: {  	_ =	shalt  }
0x79: {  	_ =	shalt  }
0x7a: {  	_ =	shalt  }
0x7b: {  	_ =	shalt  }
0x7c: {  	_ =	shalt  }
0x7d: {  	_ =	shalt  }
0x7e: {  	_ =	shalt  }
0x7f: {  	_ =	shalt  }
0x80: {  	_ =	shalt  }
0x81: {  	_ =	shalt  }
0x82: {  	_ =	shalt  }
0x83: {  	_ =	shalt  }
0x84: {  	_ =	shalt  }
0x85: {  	_ =	shalt  }
0x86: {  	_ =	shalt  }
0x87: {  	_ =	shalt  }
.Lfunc_end0:
.L_simem_size_0:
called_computation.1_lowered:
.L_overlay_start_0:
0x88: {  	s2 =	sld [smem:$0x3FD9]  }
0x89: {  	s3 =	sld [smem:$0x3FFE];
	_ =	sdelay $0x1  }
0x8a: {  	s1 =	srdreg.scid  }
0x8b: {  	s0 =	sand.u32 $0x1, s1  }
0x8c: {  	s16 =	sshll.u32 s0, $0xA;
	s2 =	sadd.s32 s3, s2  }
0x8d: {  	s2 =	sadd.s32 s2, s16  }
0x8e: {  	[smem:$0x3FB5] =	sst s2  }
0x8f: {  	_ = 	snop  }
0x90: {  	(tm) =	ssettm $0x1  }
0x91: {  	s17 =	sld [smem:$0x3FFB];
	_ =	sdelay $0x3  }
0x92: {  	_ =	strace s17  }
0x93: {  	s2 =	sld [smem:$0x3FFC];
	_ =	sdelay $0x3  }
0x94: {  	_ =	strace s2  }
0x95: {  	s2 =	sld [smem:$0x3FFD];
	_ =	sdelay $0x3  }
0x96: {  	_ =	strace s2  }
0x97: {  	_ =	strace $0x8FFFFFFF  }
0x98: {  	s18 =	sld [smem:$0x3FDB];
	_ =	sdelay $0x1  }
0x99: {  	s19 =	simm.s32 $_scs_section_size  }
0x9a: {  	s4 =	simm.s32 $_size__tile_overlayer_lowered;
	s5 =	simm.s32 $_tile_overlayer_lowered  }
0x9b: {  	s22 =	simm.s32 $0x1BFF;
	s21 =	sshll.u32 s5, $0x1;
	s2 =	sadd.s32 s19, s18  }
0x9c: {  	s6 =	simm.s32 $0x0;
	s20 =	sshll.u32 s4, $0x1;
	s4 =	sadd.s32 s21, s2  }
0x9d: {  	[timem:s6], [sflag:s22] =	dma.local [hbm:s4], s20  }
0x9e: {  	_ =	swait.ge [sflag:s22], s20  }
0x9f: {  	s3 =	ssub.s32 $0x0, s20;
	[sflag:s22] =	ssyncset.done $0x0  }
0xa0: {  	[sflag:s22] =	ssyncadd.s32 s3;
	_ =	sdelay $0x1  }
0xa1: {  	s23 =	simm.s32 $0x1B8B  }
0xa2: {  	_ =	swait.ge [sflag:s23], $0x1  }
0xa3: {  	[sflag:s23] =	ssyncset.done $0x0  }
0xa4: {  	s25 =	simm.s32 $0x1B8E;
	s24 =	sld [smem:$0x3FFE];
	[sflag:s23] =	ssyncadd.s32 $0xFFFFFFFF  }
0xa5: {  	s26 =	simm.s32 $execute0_lowered;
	[smem:$0x3FD2] =	sst s25  }
0xa6: {  	s4 =	sshll.u32 s26, $0x1;
	_ =	strace $0x80000046;
	[dreg:$0x1] =	wrdreg $0xFFFFFFFF  }
0xa7: {  	s28 =	simm.s32 $_size_execute0_lowered;
	s2 =	sadd.s32 s2, s4;
	[dreg:$0x0] =	wrdreg $0x0  }
0xa8: {  	s4 =	sshll.u32 s28, $0x1;
	[dreg:$0x2] =	wrdreg s2  }
0xa9: {  	[dreg:$0x3] =	wrdreg s4  }
0xaa: {  	[dreg:$0x4] =	wrdreg $0xC0  }
0xab: {  	_ =	task [dreg:s6], $0x5FFFF  }
0xac: {  	[dreg:$0x1] =	wrdreg $0xFFFFFFFF  }
0xad: {  	[dreg:$0x0] =	wrdreg $0x60  }
0xae: {  	[dreg:$0x2] =	wrdreg s24  }
0xaf: {  	[dreg:$0x3] =	wrdreg $0x9  }
0xb0: {  	_ =	task.clear_ibuf [dreg:s6], $0x4FFFF;
	_ =	strace $0x90000046  }
0xb1: {  	s29 =	simm.s32 $0x9;
	_ =	strace $0x80000048  }
0xb2: {  	_ =	swait.ge [sflag:s29], $0x1  }
0xb3: {  	[sflag:s29] =	ssyncadd.s32 $0xFFFFFFFF  }
0xb4: {  	_ =	strace $0x90000048  }
0xb5: {  	_ =	sfence  }
0xb6: {  	s30 =	sld [smem:$0x0];
	_ =	sdelay $0x2  }
0xb7: {  	s31 =	sshll.u32 s1, $0xD;
	s1 =	sshrl.u32 s1, $0x2  }
0xb8: {  	s3 =	sand.u32 $0x4000, s31;
	s1 =	sadd.s32 s1, s30  }
0xb9: {  	s0 =	sor.u32 s3, s0;
	s1 =	sshll.u32 s1, $0x11  }
0xba: {  	s0 =	sor.u32 s1, s0  }
0xbb: {  	s0 =	sadd.s32 $0x8F2B, s0  }
0xbc: {  	[sflag:s0] =	ssyncadd.remote.s32 $0x1  }
0xbd: {  	_ =	sfence.sel $0xFFFF  }
0xbe: {  	[dreg:$0x0] =	wrdreg $0xFFFFFFFF;
	(pc) =	sbr.abs _section_cstart, $3  }
0xbf: {  	[dreg:$0x1] =	wrdreg $0xFFFFFFFF  }
0xc0: {  	_ =	task.clear_ibuf [dreg:s6], $0x2FFFF;
	_ =	strace $0x9FFFFFFF  }
0xc1: {  	(tm) =	ssettm $0x7FFFFFFF  }
tec
execute0_lowered:
.L_overlay_start_1:
0x0: {  	(tag) =	ssettag $0x1  }
0x1: {  	s0 =	srdreg.scid;
	s5 =	rddreg [dreg:$0x0]  }
0x2: {  	s1 =	stileid.u32;
	s6 =	simm.s32 $0x1;
	s9 =	simm.s32 $0x1  }
0x3: {  	s10 =	simm.s32 $0x3;
	s13 =	simm.s32 $0x0;
	s2 =	sshll.u32 s0, $0x6  }
0x4: {  	s12 =	simm.s32 $0x0;
	s3 =	sshll.u32 s1, $0x7;
	s2 =	sand.u32 $0x40, s2  }
0x5: {  	s0 =	rddreg [dreg:$0x1];
	_ =	strace $0x80000047;
	s2 =	sor.u32 s3, s2  }
0x6: {  	s4 =	sadd.s32 $0x30200, s5;
	[sflag:s6] =	ssyncpa.u1 $0x0;
	s8 =	ssub.s32 $0x1000, s2  }
.Ltmp0:
0x7: {  	s3 =	sadd.s32 $0x20200, s5;
	s7 =	sand.u32 $0x7C0, s8;
	(pc) =	sbr.rel .LBB2_1-.Ltmp0, $4  }
0x8: {  	s5 =	sadd.s32 $0x30400, s5;
	s11 =	smov.u32 s2;
	p0 =	sne.s32 s7, $0x0  }
0x9: {  	s8 =	sshrl.u32 s8, $0xB;
	s7 =	simm.s32 $0x2;
	s9 =	simm.s32 @!p0 $0x0  }
0xa: {  	[sflag:s7] =	ssyncpa.u1 $0x0;
	p0 =	por $0x0, $0x0;
	s8 =	sadd.s32 s9, s8  }
0xb: {  	vm0 =	vmmov $0xffff;
	[sflag:s10] =	ssyncpa.u1 $0x0;
	s10 =	simm.s32 $0x0;
	s9 =	sadd.s32 $0x1, s8  }
.LBB2_4:
0xc: {  	v5 =	vshrl.u32 v1, $0xC;
	v6 =	vshll.u32 v1, $0x7  }
0xd: {  	vm1 =	veq.s32 v1, $0x80000000;
	v58 =	vand.u32 $0xF, v5;
	v59 =	vand.u32 $0x7FF80, v6  }
0xe: {  	v1 =	vsel vm1, $0xFFFFFFFF, v58;
	v5 =	vsel vm1, $0xFFFFFF80, v59  }
0xf: {  	v3 =	vor.u32 v4, v3;
	v60 =	vand.u32 $0xFFFFFC00, v5;
	v61 =	vand.u32 $0xFFFFFC00, v1  }
0x10: {  	v2 =	vor.u32 v2, v3;
	v63 =	vand.u32 $0x380, v5;
	v62 =	vadd.s32 v61, v60  }
0x11: {  	v1 =	vand.u32 $0x7F, v1;
	v3 =	vor.u32 v63, v62  }
0x12: {  	v1 =	vor.u32 v1, v3  }
0x13: {  	[tilespmem:s15], [sflag:$0x1] =	stream.indirect_vreg.gather [hbm4b:s3+s10], $0x1, v0, vm0, $0x4038;
	[tilespmem:$0x100] =	vst v63  }
0x14: {  	(ifvalue) =	ssetifvalue $0x7FFFFFFF  }
0x15: {  	[tilespmem:s16], [sflag:$0x1] =	stream.indirect_vreg.gather [hbm4b:s3+s10], $0x1, v2, vm0, $0x4038;
	[tilespmem:$0x100] =	vst v63  }
0x16: {  	s29 =	sadd.s32 $0x10, s16;
	(ifvalue) =	ssetifvalue $0x7FFFFFFF  }
0x17: {  	[tilespmem:s29], [sflag:$0x1] =	stream.indirect_vreg.gather [hbm4b:s3+s10], $0x1, v1, vm0, $0x4038;
	[tilespmem:$0x100] =	vst v63  }
0x18: {  	_ =	swait.ge [sflag:s6], $0x40  }
0x19: {  	s30 =	sshrl.u32 s13, $0x3;
	[sflag:s6] =	ssyncset.done $0x0  }
0x1a: {  	s31 =	sand.u32 $0x7, s13;
	s15 =	sadd.s32 s5, s30;
	[sflag:s6] =	ssyncadd.s32 $0xFFFFFFC0  }
0x1b: {  	[hbm4b:s15+s31] =	stream.linear.scatter [tilespmem:s14], [sflag:$0x3], $0x40, $0x38;
	[tilespmem:$0x100] =	vst v63  }
.LBB2_5:
0x1c: {  	s15 =	sadd.s32 $0x800, s11  }
0x1d: {  	p2 =	sgt.s32 s15, $0xFFF  }
0x1e: {  	s15 =	smov.u32 @p2 s2;
	p2 =	sne.s32 s12, s9  }
.Ltmp1:
0x1f: {  	p1 =	slt.u32 s12, $0x2;
	(pc) =	sbr.rel @!p2 .LBB2_6-.Ltmp1, $4  }
0x20: {  	s14 =	simm.s32 @!p1 $0x3  }
0x21: {  	s16 =	sadd.s32 $0x1, s12;
	_ =	swait.ge @!p1 [sflag:s14], $0x40  }
0x22: {  	s13 =	smov.u32 s11;
	p0 =	por !p0, !p0;
	[sflag:s14] =	ssyncset.done @!p1 $0x0  }
0x23: {  	s12 =	smov.u32 s16;
	s11 =	smov.u32 s15;
	[sflag:s14] =	ssyncadd.s32 @!p1 $0xFFFFFFC0  }
.LBB2_1:
0x24: {  	p1 =	sge.u32 s12, s8  }
0x25: {  	s14 =	sxor.u32 @!p1 $0xFFFFFFFF, s12  }
0x26: {  	s31 =	sadd.s32 $0xFFFFFFFF, s12;
	s15 =	sshrl.u32 @!p1 s11, $0x3;
	s14 =	sshll.u32 @!p1 s14, $0x6  }
0x27: {  	s16 =	sand.u32 @!p1 $0x7, s11;
	s15 =	sadd.s32 @!p1 s4, s15;
	s14 =	sand.u32 @!p1 $0x40, s14  }
0x28: {  	[tilespmem:s14], [sflag:$0x2] =	stream.linear.gather @!p1 [hbm4b:s15+s16], $0x40, $0x38;
	[tilespmem:$0x100] =	vst v63  }
0x29: {  	p1 =	sge.u32 s31, s8  }
.Ltmp2:
0x2a: {  	_ = 	snop;
	(pc) =	sbr.rel @p1 .LBB2_5-.Ltmp2, $1  }
0x2b: {  	_ =	sdelay $0x3  }
0x2c: {  	s14 =	simm.s32 $0x1  }
0x2d: {  	_ =	swait.ge [sflag:s7], $0x40;
	s14 =	simm.s32 @!p0 $0x0  }
0x2e: {  	[sflag:s7] =	ssyncset.done $0x0;
	s14 =	sshll.u32 s14, $0x6  }
0x2f: {  	[sflag:s7] =	ssyncadd.s32 $0xFFFFFFC0;
	(ifvalue) =	ssetifvalue $0x7FFFFFFF;
	v0 =	vld.msk [tilespmem:s14+$0x0 ss:$0x1], $0xffff;
	_ =	sdelay $0x4  }
0x30: {  	s15 =	sadd.s32 $0x10, s14;
	v2 =	vshrl.u32 v0, $0xC;
	v3 =	vshll.u32 v0, $0x7  }
0x31: {  	v1 =	vld.msk [tilespmem:s15+$0x0 ss:$0x1], $0xffff;
	vm1 =	veq.s32 v0, $0x80000000;
	v0 =	vand.u32 $0xF, v2;
	v2 =	vand.u32 $0x7FF80, v3  }
0x32: {  	v0 =	vsel vm1, $0xFFFFFFFF, v0;
	v2 =	vsel vm1, $0xFFFFFF80, v2  }
0x33: {  	v3 =	vand.u32 $0xFFFFFC00, v2;
	v4 =	vand.u32 $0xFFFFFC00, v0  }
0x34: {  	v2 =	vand.u32 $0x380, v2;
	v3 =	vadd.s32 v4, v3  }
0x35: {  	v0 =	vand.u32 $0x7F, v0;
	v2 =	vor.u32 v2, v3  }
0x36: {  	v5 =	vshll.u32 v1, $0x7;
	v4 =	vshrl.u32 v1, $0xC;
	v0 =	vor.u32 v0, v2  }
0x37: {  	s16 =	sshll.u32 s12, $0x6;
	vm1 =	veq.s32 v1, $0x80000000;
	v1 =	vand.u32 $0xF, v4;
	v4 =	vand.u32 $0x7FF80, v5  }
0x38: {  	s16 =	sand.u32 $0x40, s16;
	s18 =	sadd.s32 $0x10, s15;
	v3 =	vsel vm1, $0xFFFFFFFF, v1;
	v4 =	vsel vm1, $0xFFFFFF80, v4  }
0x39: {  	s17 =	simm.s32 $0x20;
	s15 =	sor.u32 $0x80, s14;
	s14 =	sor.u32 $0x80, s16;
	v1 =	vld.msk [tilespmem:s18+$0x0 ss:$0x1], $0xffff;
	v5 =	vand.u32 $0xFFFFFC00, v4;
	v6 =	vand.u32 $0xFFFFFC00, v3  }
0x3a: {  	s16 =	sadd.s32 $0x10, s15;
	s18 =	sadd.s32 $0x10, s18;
	(ifvalue) =	ssetifvalue $0x7FFFFFFF;
	v2 =	vand.u32 $0x7F, v3;
	v4 =	vand.u32 $0x380, v4;
	v3 =	vadd.s32 v6, v5  }
.LBB2_3:
0x3b: {  	[tilespmem:s15], [sflag:$0x1] =	stream.indirect_vreg.gather [hbm4b:s3+s10], $0x1, v0, vm0, $0x4038;
	[tilespmem:$0x100] =	vst v63  }
0x3c: {  	s17 =	sadd.s32 $0x10, s17  }
0x3d: {  	v3 =	vor.u32 v4, v3;
	p1 =	slt.u32 s17, $0x30  }
.Ltmp3:
0x3e: {  	v4 =	vshrl.u32 v1, $0xC;
	v5 =	vshll.u32 v1, $0x7;
	s15 =	smov.u32 s16;
	v0 =	vor.u32 v2, v3;
	v2 =	vmovc v1;
	v1 =	vld.msk [tilespmem:s18+$0x0 ss:$0x1], $0xffff;
	(pc) =	sbr.rel @p1 .LBB2_3-.Ltmp3, $4  }
0x3f: {  	v3 =	vand.u32 $0x7FF80, v5;
	vm1 =	veq.s32 v2, $0x80000000;
	v2 =	vand.u32 $0xF, v4  }
0x40: {  	v4 =	vsel vm1, $0xFFFFFFFF, v2;
	v5 =	vsel vm1, $0xFFFFFF80, v3  }
0x41: {  	v2 =	vand.u32 $0x7F, v4;
	v3 =	vand.u32 $0xFFFFFC00, v5;
	v4 =	vand.u32 $0xFFFFFC00, v4  }
0x42: {  	s16 =	sadd.s32 $0x10, s16;
	s18 =	sadd.s32 $0x10, s18;
	v3 =	vadd.s32 v4, v3;
	v4 =	vand.u32 $0x380, v5;
	(ifvalue) =	ssetifvalue $0x7FFFFFFF  }
.Ltmp4:
0x43: {  	_ = 	snop;
	(pc) =	sbr.rel .LBB2_4-.Ltmp4, $1  }
0x44: {  	_ =	sdelay $0x3  }
.LBB2_6:
0x45: {  	_ =	sfence.sel $0x180000  }
0x46: {  	s2 =	simm.s32 $0x2;
	[bflag:$0x0] =	sbarrier.arrive $0xFFFF  }
0x47: {  	s30 =	simm.s32 $0x3;
	[sflag:s2] =	ssyncpa.u1 $0x1  }
0x48: {  	s31 =	simm.s32 $0x1;
	[sflag:s30] =	ssyncpa.u1 $0x1  }
0x49: {  	[sflag:s31] =	ssyncpa.u1 $0x1  }
0x4a: {  	p0 =	sne.s32 s1, $0x0;
	_ =	strace $0x90000047  }
0x4b: {  	s0 =	sadd.s32 @!p0 $0x100000, s0;
	[bflag:$0x2] =	sbarrier.arrive $0xFFFF  }
0x4c: {  	[sflag:s0] =	ssyncadd.tile.s32 @!p0 $0x1;
	_ =	shalt  }
.Lfunc_end2:
_tile_overlayer_lowered:
.L_overlay_start_2:
0x4d: {  	(tag) =	ssettag $0x2  }
0x4e: {  	s0 =	rddreg [dreg:$0x0];
	s2 =	stileid.u32  }
0x4f: {  	s1 =	rddreg [dreg:$0x1];
	p0 =	sne.s32 s2, $0x0  }
0x50: {  	s3 =	rddreg [dreg:$0x2];
	[bflag:$0x3] =	sbarrier.arrive $0xFFFF;
	s2 =	simm.s32 @!p0 $0x1C01  }
0x51: {  	[timem:s3], [sflag:s2] =	dma.local @!p0 [hbm:s0], s1  }
0x52: {  	s0 =	simm.s32 @!p0 $0x1  }
0x53: {  	_ =	swait.ge @!p0 [sflag:s0], s1  }
0x54: {  	s1 =	ssub.s32 @!p0 $0x0, s1;
	[sflag:s0] =	ssyncset.done @!p0 $0x0  }
0x55: {  	[sflag:s0] =	ssyncadd.s32 @!p0 s1  }
0x56: {  	[bflag:$0x3] =	sbarrier.arrive $0xFFFF  }
0x57: {  	_ =	shalt  }

// kernel: gather_offload_async_start
scs
__scs_entry_jumppad:
0x0: {  	(pc) =	sbr.rel $0x88, $3  }
0x1: {  	(tag) =	ssettag $0x0;
	lr =	simm.s32 $0x1  }
0x2: {  	[smem:$0x3F8E] =	sst lr;
	_ =	strace $0xD0000000  }
0x3: {  	_ = 	snop  }
0x4: {  	_ = 	snop  }
0x5: {  	_ = 	snop  }
0x6: {  	_ = 	snop  }
0x7: {  	_ = 	snop  }
__scs_overlays_trampoline_lowered:
0x8: {  	[smem:$0x3F9D] =	sst s0  }
0x9: {  	[smem:$0x3F9E] =	sst s1  }
0xa: {  	[smem:$0x3F9F] =	sst s2  }
0xb: {  	[smem:$0x3FA0] =	sst s3  }
0xc: {  	[smem:$0x3FA1] =	sst s4  }
0xd: {  	[smem:$0x3FA2] =	sst s5  }
0xe: {  	[smem:$0x3FA3] =	sst s6  }
0xf: {  	[smem:$0x3FA4] =	sst s7  }
0x10: {  	[smem:$0x3FA5] =	sst s8  }
0x11: {  	[smem:$0x3FA6] =	sst s9;
	s0 =	simm.s32 @!p0 $0x0  }
0x12: {  	s1 =	sld [smem:$0x3F8C];
	s0 =	simm.s32 @p0 $0x1  }
0x13: {  	[smem:$0x3FA7] =	sst s0;
	s0 =	simm.s32 @!p1 $0x0  }
0x14: {  	s2 =	sld [smem:$0x3F8B];
	s0 =	simm.s32 @p1 $0x1  }
0x15: {  	[smem:$0x3FA8] =	sst s0;
	s0 =	simm.s32 @!p2 $0x0  }
0x16: {  	s3 =	sld [smem:$0x3FDB];
	s0 =	simm.s32 @p2 $0x1  }
0x17: {  	s4 =	simm.s32 $0x1BF5;
	[smem:$0x3FAA] =	sst s0  }
0x18: {  	s0 =	sld [smem:$0x3F8D];
	_ =	swait.ge [sflag:s4], $0x0  }
0x19: {  	s7 =	sld [smem:$0x3F8E]  }
0x1a: {  	s8 =	sadd.s32 $0xFFFFE003, lr  }
0x1b: {  	s9 =	sadd.s32 $0xFFFFFEF7, lr;
	s5 =	simm.s32 $0xFFFFFFFF;
	p2 =	slt.u32 s8, $0xFFFFF086  }
0x1c: {  	p1 =	slt.u32 s9, $0xF7A;
	s5 =	simm.s32 @!p2 $0x0  }
0x1d: {  	s5 =	simm.s32 @p1 $0x1;
	p0 =	seq.s32 s7, s2  }
0x1e: {  	s7 =	smul.u32 @!p0 $0xF7A, s2;
	p2 =	seq.s32 @!p0 s5, $0x0  }
0x1f: {  	s9 =	smul.u32 $0xF7A, s1;
	s8 =	simm.s32 @!p0 $0x1BF5;
	p2 =	por !p2, p0  }
0x20: {  	[sflag:s8] =	ssyncset.s32 @!p0 $0xFFFFF086;
	s6 =	sadd.s32 @!p0 s3, s7;
	s7 =	simm.s32 @!p0 $0x108  }
0x21: {  	s3 =	sadd.s32 s3, s9;
	s6 =	sadd.s32 @!p0 $0x88, s6;
	s7 =	simm.s32 @p2 $0x1082  }
0x22: {  	[simem:s7], [sflag:s8] =	dma.local @!p0 [hbm:s6], $0xF7A  }
0x23: {  	s9 =	sor.u32 $0xD0000000, s2;
	s6 =	simm.s32 $0x108;
	_ =	swait.ge @!p0 [sflag:s8], $0x0  }
0x24: {  	s3 =	sadd.s32 $0x88, s3;
	s6 =	simm.s32 @!p1 $0x1082;
	[sflag:s4] =	ssyncset.s32 $0xFFFFF086  }
0x25: {  	[simem:s6], [sflag:s4] =	dma.local [hbm:s3], $0xF7A  }
0x26: {  	[smem:$0x3F8E] =	sst s1;
	(tag) =	ssettag s2;
	_ =	strace s9  }
0x27: {  	s1 =	sld [smem:$0x3F9E]  }
0x28: {  	s2 =	sld [smem:$0x3F9F]  }
0x29: {  	s4 =	sld [smem:$0x3FA1]  }
0x2a: {  	p0 =	seq.s32 s5, $0x0;
	s5 =	sld [smem:$0x3FA2]  }
0x2b: {  	s6 =	sld [smem:$0x3FA3]  }
0x2c: {  	s7 =	sld [smem:$0x3FA4]  }
0x2d: {  	s3 =	simm.s32 $0x108;
	s8 =	sld [smem:$0x3FA5]  }
0x2e: {  	s3 =	simm.s32 @!p0 $0x1082;
	s9 =	sld [smem:$0x3FA6]  }
0x2f: {  	lr =	sadd.s32 s0, s3;
	s0 =	sld [smem:$0x3F9D]  }
0x30: {  	s3 =	sld [smem:$0x3FA0]  }
0x31: {  	[smem:$0x3FA9] =	sst s10  }
0x32: {  	s10 =	sld [smem:$0x3FA7];
	_ =	sdelay $0x3  }
0x33: {  	p0 =	seq.s32 s10, $0x1;
	s10 =	sld [smem:$0x3FA9];
	_ =	sdelay $0x3  }
0x34: {  	[smem:$0x3FA9] =	sst s10  }
0x35: {  	s10 =	sld [smem:$0x3FA8];
	_ =	sdelay $0x3  }
0x36: {  	p1 =	seq.s32 s10, $0x1;
	s10 =	sld [smem:$0x3FA9];
	_ =	sdelay $0x3  }
0x37: {  	[smem:$0x3FA9] =	sst s10  }
0x38: {  	s10 =	sld [smem:$0x3FAA]  }
0x39: {  	_ = 	snop;
	(pc) =	sbr.ind lr, $3  }
0x3a: {  	_ = 	snop  }
0x3b: {  	_ = 	snop  }
0x3c: {  	p2 =	seq.s32 s10, $0x1;
	s10 =	sld [smem:$0x3FA9]  }
0x3d: {  	_ =	shalt  }
0x3e: {  	_ =	shalt  }
0x3f: {  	_ =	shalt  }
0x40: {  	_ =	shalt  }
0x41: {  	_ =	shalt  }
0x42: {  	_ =	shalt  }
0x43: {  	_ =	shalt  }
0x44: {  	_ =	shalt  }
0x45: {  	_ =	shalt  }
0x46: {  	_ =	shalt  }
0x47: {  	_ =	shalt  }
0x48: {  	_ =	shalt  }
0x49: {  	_ =	shalt  }
0x4a: {  	_ =	shalt  }
0x4b: {  	_ =	shalt  }
0x4c: {  	_ =	shalt  }
0x4d: {  	_ =	shalt  }
0x4e: {  	_ =	shalt  }
0x4f: {  	_ =	shalt  }
0x50: {  	_ =	shalt  }
0x51: {  	_ =	shalt  }
0x52: {  	_ =	shalt  }
0x53: {  	_ =	shalt  }
0x54: {  	_ =	shalt  }
0x55: {  	_ =	shalt  }
0x56: {  	_ =	shalt  }
0x57: {  	_ =	shalt  }
0x58: {  	_ =	shalt  }
0x59: {  	_ =	shalt  }
0x5a: {  	_ =	shalt  }
0x5b: {  	_ =	shalt  }
0x5c: {  	_ =	shalt  }
0x5d: {  	_ =	shalt  }
0x5e: {  	_ =	shalt  }
0x5f: {  	_ =	shalt  }
0x60: {  	_ =	shalt  }
0x61: {  	_ =	shalt  }
0x62: {  	_ =	shalt  }
0x63: {  	_ =	shalt  }
0x64: {  	_ =	shalt  }
0x65: {  	_ =	shalt  }
0x66: {  	_ =	shalt  }
0x67: {  	_ =	shalt  }
0x68: {  	_ =	shalt  }
0x69: {  	_ =	shalt  }
0x6a: {  	_ =	shalt  }
0x6b: {  	_ =	shalt  }
0x6c: {  	_ =	shalt  }
0x6d: {  	_ =	shalt  }
0x6e: {  	_ =	shalt  }
0x6f: {  	_ =	shalt  }
0x70: {  	_ =	shalt  }
0x71: {  	_ =	shalt  }
0x72: {  	_ =	shalt  }
0x73: {  	_ =	shalt  }
0x74: {  	_ =	shalt  }
0x75: {  	_ =	shalt  }
0x76: {  	_ =	shalt  }
0x77: {  	_ =	shalt  }
0x78: {  	_ =	shalt  }
0x79: {  	_ =	shalt  }
0x7a: {  	_ =	shalt  }
0x7b: {  	_ =	shalt  }
0x7c: {  	_ =	shalt  }
0x7d: {  	_ =	shalt  }
0x7e: {  	_ =	shalt  }
0x7f: {  	_ =	shalt  }
0x80: {  	_ =	shalt  }
0x81: {  	_ =	shalt  }
0x82: {  	_ =	shalt  }
0x83: {  	_ =	shalt  }
0x84: {  	_ =	shalt  }
0x85: {  	_ =	shalt  }
0x86: {  	_ =	shalt  }
0x87: {  	_ =	shalt  }
.Lfunc_end0:
.L_simem_size_0:
called_computation_lowered:
.L_overlay_start_0:
0x88: {  	s2 =	sld [smem:$0x3FD9]  }
0x89: {  	s3 =	sld [smem:$0x3FFE];
	_ =	sdelay $0x1  }
0x8a: {  	s1 =	srdreg.scid  }
0x8b: {  	s0 =	sand.u32 $0x1, s1  }
0x8c: {  	s16 =	sshll.u32 s0, $0xA;
	s2 =	sadd.s32 s3, s2  }
0x8d: {  	s2 =	sadd.s32 s2, s16  }
0x8e: {  	[smem:$0x3FB5] =	sst s2  }
0x8f: {  	_ = 	snop  }
0x90: {  	(tm) =	ssettm $0x1  }
0x91: {  	s17 =	sld [smem:$0x3FFB];
	_ =	sdelay $0x3  }
0x92: {  	_ =	strace s17  }
0x93: {  	s2 =	sld [smem:$0x3FFC];
	_ =	sdelay $0x3  }
0x94: {  	_ =	strace s2  }
0x95: {  	s2 =	sld [smem:$0x3FFD];
	_ =	sdelay $0x3  }
0x96: {  	_ =	strace s2  }
0x97: {  	_ =	strace $0x8FFFFFFF  }
0x98: {  	s18 =	sld [smem:$0x3FDB];
	_ =	sdelay $0x1  }
0x99: {  	s19 =	simm.s32 $_scs_section_size  }
0x9a: {  	s4 =	simm.s32 $_size__tile_overlayer_lowered;
	s5 =	simm.s32 $_tile_overlayer_lowered  }
0x9b: {  	s22 =	simm.s32 $0x1BFF;
	s21 =	sshll.u32 s5, $0x1;
	s2 =	sadd.s32 s19, s18  }
0x9c: {  	s6 =	simm.s32 $0x0;
	s20 =	sshll.u32 s4, $0x1;
	s4 =	sadd.s32 s21, s2  }
0x9d: {  	[timem:s6], [sflag:s22] =	dma.local [hbm:s4], s20  }
0x9e: {  	_ =	swait.ge [sflag:s22], s20  }
0x9f: {  	s3 =	ssub.s32 $0x0, s20;
	[sflag:s22] =	ssyncset.done $0x0  }
0xa0: {  	[sflag:s22] =	ssyncadd.s32 s3;
	_ =	sdelay $0x1  }
0xa1: {  	s23 =	simm.s32 $0x1B8B  }
0xa2: {  	_ =	swait.ge [sflag:s23], $0x1  }
0xa3: {  	[sflag:s23] =	ssyncset.done $0x0  }
0xa4: {  	s25 =	simm.s32 $0x1B8E;
	s24 =	sld [smem:$0x3FFE];
	[sflag:s23] =	ssyncadd.s32 $0xFFFFFFFF  }
0xa5: {  	s26 =	simm.s32 $execute0_lowered;
	[smem:$0x3FD2] =	sst s25  }
0xa6: {  	s4 =	sshll.u32 s26, $0x1;
	_ =	strace $0x80000049;
	[dreg:$0x1] =	wrdreg $0xFFFFFFFF  }
0xa7: {  	s28 =	simm.s32 $_size_execute0_lowered;
	s2 =	sadd.s32 s2, s4;
	[dreg:$0x0] =	wrdreg $0x0  }
0xa8: {  	s4 =	sshll.u32 s28, $0x1;
	[dreg:$0x2] =	wrdreg s2  }
0xa9: {  	[dreg:$0x3] =	wrdreg s4  }
0xaa: {  	[dreg:$0x4] =	wrdreg $0xC0  }
0xab: {  	_ =	task [dreg:s6], $0x5FFFF  }
0xac: {  	[dreg:$0x1] =	wrdreg $0xFFFFFFFF  }
0xad: {  	[dreg:$0x0] =	wrdreg $0x60  }
0xae: {  	[dreg:$0x2] =	wrdreg s24  }
0xaf: {  	[dreg:$0x3] =	wrdreg $0x9  }
0xb0: {  	_ =	task.clear_ibuf [dreg:s6], $0x4FFFF;
	_ =	strace $0x90000049  }
0xb1: {  	s29 =	simm.s32 $0x9;
	_ =	strace $0x8000004B  }
0xb2: {  	_ =	swait.ge [sflag:s29], $0x1  }
0xb3: {  	[sflag:s29] =	ssyncadd.s32 $0xFFFFFFFF  }
0xb4: {  	_ =	strace $0x9000004B  }
0xb5: {  	_ =	sfence  }
0xb6: {  	s30 =	sld [smem:$0x0];
	_ =	sdelay $0x2  }
0xb7: {  	s31 =	sshll.u32 s1, $0xD;
	s1 =	sshrl.u32 s1, $0x2  }
0xb8: {  	s3 =	sand.u32 $0x4000, s31;
	s1 =	sadd.s32 s1, s30  }
0xb9: {  	s0 =	sor.u32 s3, s0;
	s1 =	sshll.u32 s1, $0x11  }
0xba: {  	s0 =	sor.u32 s1, s0  }
0xbb: {  	s0 =	sadd.s32 $0x8F2B, s0  }
0xbc: {  	[sflag:s0] =	ssyncadd.remote.s32 $0x1  }
0xbd: {  	_ =	sfence.sel $0xFFFF  }
0xbe: {  	[dreg:$0x0] =	wrdreg $0xFFFFFFFF;
	(pc) =	sbr.abs _section_cstart, $3  }
0xbf: {  	[dreg:$0x1] =	wrdreg $0xFFFFFFFF  }
0xc0: {  	_ =	task.clear_ibuf [dreg:s6], $0x2FFFF;
	_ =	strace $0x9FFFFFFF  }
0xc1: {  	(tm) =	ssettm $0x7FFFFFFF  }
tec
execute0_lowered:
.L_overlay_start_1:
0x0: {  	(tag) =	ssettag $0x1  }
0x1: {  	s7 =	rddreg [dreg:$0x0]  }
0x2: {  	s0 =	rddreg [dreg:$0x1];
	_ =	strace $0x8000004A  }
0x3: {  	s1 =	srdreg.scid;
	s4 =	simm.s32 $0x1;
	s9 =	simm.s32 $0x3  }
0x4: {  	s11 =	simm.s32 $0x0;
	p0 =	por $0x0, $0x0;
	s5 =	sshll.u32 s1, $0x4  }
.Ltmp0:
0x5: {  	s1 =	stileid.u32;
	s5 =	sand.u32 $0x10, s5;
	(pc) =	sbr.rel .LBB2_1-.Ltmp0, $4  }
0x6: {  	s2 =	sadd.s32 $0x159E00, s7;
	s3 =	sadd.s32 $0x20400, s7;
	s6 =	sor.u32 s1, s5  }
0x7: {  	[sflag:s4] =	ssyncpa.u1 $0x0;
	s5 =	simm.s32 $0x2;
	s6 =	sshll.u32 s6, $0x7  }
0x8: {  	s7 =	sadd.s32 $0x20600, s7;
	[sflag:s5] =	ssyncpa.u1 $0x0;
	s8 =	sadd.s32 $0x80, s6  }
0x9: {  	vm0 =	vmmov $0xff;
	vm1 =	vcmask $0x3F20;
	[sflag:s9] =	ssyncpa.u1 $0x0;
	s10 =	smov.u32 s6;
	s9 =	simm.s32 $0x0  }
.LBB2_9:
0xa: {  	p1 =	slt.u32 s9, $0x2;
	s11 =	sadd.s32 $0x20, s10  }
0xb: {  	s13 =	smov.u32 s6;
	s9 =	sadd.s32 $0x1, s9;
	p2 =	slt.s32 s11, s8  }
0xc: {  	s13 =	smov.u32 @p2 s11;
	p2 =	sne.s32 s9, $0x6  }
.Ltmp1:
0xd: {  	_ = 	snop;
	(pc) =	sbr.rel @!p2 .LBB2_10-.Ltmp1, $4  }
0xe: {  	s12 =	simm.s32 @!p1 $0x3  }
0xf: {  	_ =	swait.ge @!p1 [sflag:s12], $0x8000  }
0x10: {  	p0 =	por !p0, !p0;
	[sflag:s12] =	ssyncset.done @!p1 $0x0  }
0x11: {  	s11 =	smov.u32 s10;
	s10 =	smov.u32 s13;
	[sflag:s12] =	ssyncadd.s32 @!p1 $0xFFFF8000  }
.LBB2_1:
0x12: {  	p1 =	sgt.u32 s9, $0x3  }
0x13: {  	s12 =	sxor.u32 @!p1 $0xFFFFFFFF, s9  }
0x14: {  	s13 =	sshrl.u32 @!p1 s10, $0x3;
	s12 =	sshll.u32 @!p1 s12, $0x5  }
0x15: {  	s14 =	sand.u32 @!p1 $0x7, s10;
	s13 =	sadd.s32 @!p1 s3, s13;
	s12 =	sand.u32 @!p1 $0x20, s12  }
0x16: {  	[tilespmem:s12], [sflag:$0x2] =	stream.linear.gather @!p1 [hbm4b:s13+s14], $0x20, $0x38;
	[tilespmem:$0x10040] =	vst v63  }
0x17: {  	p1 =	seq.s32 s9, $0x0  }
0x18: {  	p2 =	seq.s32 @!p1 s9, $0x5  }
0x19: {  	p1 =	por p1, p2  }
.Ltmp2:
0x1a: {  	_ = 	snop;
	(pc) =	sbr.rel @p1 .LBB2_9-.Ltmp2, $1  }
0x1b: {  	_ =	sdelay $0x3  }
0x1c: {  	s12 =	simm.s32 $0x1  }
0x1d: {  	_ =	swait.ge [sflag:s5], $0x20;
	s13 =	sand.u32 $0x1, s9;
	s12 =	simm.s32 @!p0 $0x0  }
0x1e: {  	s15 =	simm.s32 $0x0;
	p2 =	por $0x1, $0x1;
	s12 =	sshll.u32 s12, $0x11  }
0x1f: {  	[sflag:s5] =	ssyncset.done $0x0;
	s13 =	sshll.u32 s13, $0x5;
	s14 =	sshrl.u32 s12, $0x2  }
0x20: {  	[sflag:s5] =	ssyncadd.s32 $0xFFFFFFE0;
	s12 =	sor.u32 $0x40, s14;
	s14 =	sadd.s32 $0x40, s14  }
.LBB2_3:
0x21: {  	s16 =	sshll.u32 s15, $0x4  }
0x22: {  	s16 =	sand.u32 $0x3FFFFFF0, s16  }
0x23: {  	s16 =	sadd.s32 s16, s13  }
0x24: {  	v0 =	vld.msk [tilespmem:s16+$0x0 ss:$0x1], $0xffff;
	_ =	sdelay $0x4  }
0x25: {  	vm2 =	vgt.s32 v0, $0x0  }
0x26: {  	v0 =	vnsel vm2, $0x0, v0  }
0x27: {  	v0 =	vmin.u32 v0, $0x1DFF  }
0x28: {  	v1 =	vshll.u32 v0, $0x7;
	v0 =	vshll.u32 v0, $0x4  }
0x29: {  	v1 =	vand.u32 $0xFFC00, v1;
	v0 =	vand.u32 $0x70, v0  }
0x2a: {  	v0 =	vor.u32 v0, v1  }
0x2b: {  	s31 =	sshll.u32 s15, $0x10  }
0x2c: {  	s15 =	sshra.s32 s31, $0x2  }
0x2d: {  	s15 =	sadd.s32 s15, s14  }
0x2e: {  	s17 =	sadd.s32 $0x0, s15  }
0x2f: {  	[tilespmem:s17], [sflag:$0x1] =	stream.indirect_vreg.gather [hbm:s2], $0x80, v0, vm0, $0x38;
	[tilespmem:$0x10040] =	vst v63  }
0x30: {  	p1 =	por p2, p2;
	s16 =	simm.s32 $0x1000;
	v1 =	vadd.s32 $0x80, v0;
	s17 =	sadd.s32 $0x2000, s17  }
.LBB2_4:
0x31: {  	[tilespmem:s17], [sflag:$0x1] =	stream.indirect_vreg.gather [hbm:s2], $0x80, v0, vm1, $0x38;
	[tilespmem:$0x10040] =	vst v63  }
0x32: {  	v0 =	vmov v1;
	s17 =	smov.u32 s16;
	p2 =	sne.s32 s16, $0x7000  }
.Ltmp3:
0x33: {  	s16 =	sadd.s32 $0x1000, s16;
	(pc) =	sbr.rel @p2 .LBB2_4-.Ltmp3, $4  }
0x34: {  	s17 =	sshra.s32 s17, $0x2  }
0x35: {  	s17 =	sadd.s32 s17, s15  }
0x36: {  	[tilespmem:s17], [sflag:$0x1] =	stream.indirect_vreg.gather [hbm:s2], $0x80, v1, vm0, $0x38;
	[tilespmem:$0x10040] =	vst v63  }
0x37: {  	s17 =	sadd.s32 $0x2000, s17;
	v1 =	vadd.s32 $0x80, v1  }
0x38: {  	_ = 	snop  }
.Ltmp4:
0x39: {  	_ = 	snop;
	(pc) =	sbr.rel @p1 .LBB2_3-.Ltmp4, $3  }
0x3a: {  	_ =	sdelay $0x1  }
0x3b: {  	[tilespmem:s17], [sflag:$0x1] =	stream.indirect_vreg.gather [hbm:s2], $0x80, v0, vm1, $0x38;
	[tilespmem:$0x10040] =	vst v63  }
0x3c: {  	s15 =	simm.s32 $0x1;
	p2 =	por $0x0, $0x0  }
0x3d: {  	s13 =	sshll.u32 s11, $0x7  }
0x3e: {  	s31 =	sshll.u32 s11, $0x4;
	s13 =	sand.u32 $0xFFFFFC00, s13  }
0x3f: {  	_ =	swait.ge [sflag:s4], $0x8000;
	s11 =	sand.u32 $0x70, s31;
	s13 =	sadd.s32 s13, s7  }
0x40: {  	s14 =	sadd.s32 $0x2000, s12;
	[sflag:s4] =	ssyncset.done $0x0;
	s11 =	sadd.s32 s11, s13  }
0x41: {  	[sflag:s4] =	ssyncadd.s32 $0xFFFF8000;
	s13 =	simm.s32 $0x400;
	s15 =	sadd.s32 $0x0, s11  }
.LBB2_7:
0x42: {  	[hbm:s15] =	stream.linear.scatter [tilespmem:s12], [sflag:$0x3], $0x2000, $0x38;
	[tilespmem:$0x10040] =	vst v63  }
0x43: {  	s15 =	smov.u32 s13;
	s12 =	smov.u32 s14;
	p1 =	sne.s32 s13, $0xC00  }
.Ltmp5:
0x44: {  	s13 =	sadd.s32 $0x400, s13;
	(pc) =	sbr.rel @p1 .LBB2_7-.Ltmp5, $2  }
0x45: {  	_ =	sdelay $0x2  }
0x46: {  	s14 =	sadd.s32 $0x2000, s14;
	s15 =	sadd.s32 s15, s11  }
.Ltmp6:
0x47: {  	(pc) =	sbr.rel .LBB2_9-.Ltmp6, $2  }
0x48: {  	_ =	sdelay $0x2  }
0x49: {  	[hbm:s15] =	stream.linear.scatter [tilespmem:s12], [sflag:$0x3], $0x2000, $0x38;
	[tilespmem:$0x10040] =	vst v63  }
.LBB2_10:
0x4a: {  	_ =	sfence.sel $0x180000  }
0x4b: {  	s2 =	simm.s32 $0x2;
	[bflag:$0x0] =	sbarrier.arrive $0xFFFF  }
0x4c: {  	s30 =	simm.s32 $0x3;
	[sflag:s2] =	ssyncpa.u1 $0x1  }
0x4d: {  	s31 =	simm.s32 $0x1;
	[sflag:s30] =	ssyncpa.u1 $0x1  }
0x4e: {  	[sflag:s31] =	ssyncpa.u1 $0x1  }
0x4f: {  	p0 =	sne.s32 s1, $0x0;
	_ =	strace $0x9000004A  }
0x50: {  	s0 =	sadd.s32 @!p0 $0x100000, s0;
	[bflag:$0x2] =	sbarrier.arrive $0xFFFF  }
0x51: {  	[sflag:s0] =	ssyncadd.tile.s32 @!p0 $0x1;
	_ =	shalt  }
.Lfunc_end2:
_tile_overlayer_lowered:
.L_overlay_start_2:
0x52: {  	(tag) =	ssettag $0x2  }
0x53: {  	s0 =	rddreg [dreg:$0x0];
	s2 =	stileid.u32  }
0x54: {  	s1 =	rddreg [dreg:$0x1];
	p0 =	sne.s32 s2, $0x0  }
0x55: {  	s3 =	rddreg [dreg:$0x2];
	[bflag:$0x3] =	sbarrier.arrive $0xFFFF;
	s2 =	simm.s32 @!p0 $0x1C01  }
0x56: {  	[timem:s3], [sflag:s2] =	dma.local @!p0 [hbm:s0], s1  }
0x57: {  	s0 =	simm.s32 @!p0 $0x1  }
0x58: {  	_ =	swait.ge @!p0 [sflag:s0], s1  }
0x59: {  	s1 =	ssub.s32 @!p0 $0x0, s1;
	[sflag:s0] =	ssyncset.done @!p0 $0x0  }
0x5a: {  	[sflag:s0] =	ssyncadd.s32 @!p0 s1  }
0x5b: {  	[bflag:$0x3] =	sbarrier.arrive $0xFFFF  }
0x5c: {  	_ =	shalt  }

</sc_bundles>
